<compile_context>
chip_gen: v7x
topology: tpu7x:2x2x1
jax: 0.10.2.dev20260603
libtpu: 0.0.44.dev20260713+nightly
codegen_flags: <defaults>
</compile_context>

<pallas_src>
import functools

import jax
import jax.numpy as jnp
from jax import lax
from jax.experimental import pallas as pl
from jax.experimental.pallas import tpu as pltpu
from jax.experimental.pallas import tpu_sc as plsc

B = 16384
NUM_WORKERS = 32
BPW = B // NUM_WORKERS
L = 16

USER_EMB = 64
FEAT_EMB = 16
OUT_D = USER_EMB + 4 * FEAT_EMB
SMALL_D = 3 * FEAT_EMB
SMALL_ROWS = 2 + 7 + 21
ZIP_OFF = USER_EMB + SMALL_D


@functools.partial(
    pl.kernel,
    out_type=jax.ShapeDtypeStruct((B, OUT_D), jnp.float32),
    mesh=plsc.VectorSubcoreMesh(core_axis_name="c", subcore_axis_name="s"),
    compiler_params=pltpu.CompilerParams(use_tc_tiling_on_sc=False,
                                         needs_layout_passes=False,
                                         disable_bounds_checks=True,
                                         disable_semaphore_checks=True,
                                         skip_device_barrier=True),
    scratch_types=[
        pltpu.VMEM((5 * BPW,), jnp.int32),
        pltpu.VMEM((BPW, USER_EMB), jnp.float32),
        pltpu.VMEM((BPW, FEAT_EMB), jnp.float32),
        pltpu.VMEM((BPW, SMALL_D), jnp.float32),
        pltpu.VMEM((SMALL_ROWS * FEAT_EMB,), jnp.float32),
        [pltpu.SemaphoreType.DMA for _ in range(3)],
        pltpu.SemaphoreType.DMA,
    ],
)
def _lookup_concat(idx_hbm, user_hbm, small_hbm, zip_hbm, out_hbm,
                   idx_v, user_v, zip_v, small_v, small_tab_v, gsems, wsem):
    wid = lax.axis_index("s") * 2 + lax.axis_index("c")
    base = wid * BPW
    idx_cp = pltpu.async_copy(
        idx_hbm.at[pl.ds(wid * 5 * BPW, 5 * BPW)], idx_v, gsems[2])
    tab_cp = pltpu.async_copy(small_hbm, small_tab_v, wsem)
    idx_cp.wait()
    user_cp = pltpu.async_copy(
        user_hbm.at[idx_v.at[pl.ds(0, BPW)]], user_v, gsems[0])
    zip_cp = pltpu.async_copy(
        zip_hbm.at[idx_v.at[pl.ds(4 * BPW, BPW)]], zip_v, gsems[1])
    tab_cp.wait()

    lane = lax.iota(jnp.int32, L)

    writes = []
    for t in range(3):

        @plsc.parallel_loop(0, BPW // L, unroll=2)
        def body(i, t=t):
            idxg = idx_v[pl.ds((1 + t) * BPW + i * L, L)]
            src = idxg * FEAT_EMB
            dst_rows = lane + i * L
            for j in range(FEAT_EMB):
                vals = plsc.load_gather(small_tab_v, [src + j])
                col = jnp.full((L,), t * FEAT_EMB + j, jnp.int32)
                plsc.store_scatter(small_v, [dst_rows, col], vals)

        writes.append(pltpu.async_copy(
            small_v.at[:, pl.ds(t * FEAT_EMB, FEAT_EMB)],
            out_hbm.at[pl.ds(base, BPW),
                       pl.ds(USER_EMB + t * FEAT_EMB, FEAT_EMB)],
            wsem))
    zip_cp.wait()
    writes.append(pltpu.async_copy(
        zip_v, out_hbm.at[pl.ds(base, BPW), pl.ds(ZIP_OFF, FEAT_EMB)],
        wsem))
    user_cp.wait()
    writes.append(pltpu.async_copy(
        user_v, out_hbm.at[pl.ds(base, BPW), pl.ds(0, USER_EMB)], wsem))
    for cp in writes:
        cp.wait()


def kernel(categorical_feats, user_table, gender_table, age_table,
           occup_table, zip_table):
    small = jnp.concatenate(
        [gender_table, age_table, occup_table], axis=0).reshape(-1)
    idx = categorical_feats.astype(jnp.int32)
    idx = idx + jnp.array([0, 0, 2, 9, 0], jnp.int32)[None, :]
    idx = idx.reshape(NUM_WORKERS, BPW, 5).transpose(0, 2, 1).reshape(-1)
    return _lookup_concat(idx, user_table, small, zip_table)

# --- scband reference (transcript-rebuilt; emitter-appended) ---
"""Pipeline reference for scband-user-rep-83296595738678 (READ-ONLY COPY).

The authoritative reference and input builder live on the scoring server;
editing this copy changes nothing except your own understanding.
"""

import jax, jax.numpy as jnp
import numpy as np

NUM_AGES = 7
NUM_OCCUPS = 21
NUM_USERS = 6040
NUM_ZIPS = 3439
USER_EMB = 64
FEAT_EMB = 16
B = 16384


def setup_inputs(seed: int = 0) -> dict:
    key = jax.random.key(seed)
    ks = jax.random.split(key, 10)
    user = jax.random.randint(ks[0], (B,), 0, NUM_USERS + 1)
    gender = jax.random.randint(ks[1], (B,), 0, 2)
    age = jax.random.randint(ks[2], (B,), 0, NUM_AGES)
    occup = jax.random.randint(ks[3], (B,), 0, NUM_OCCUPS)
    zipc = jax.random.randint(ks[4], (B,), 0, NUM_ZIPS)
    categorical_feats = jnp.stack([user, gender, age, occup, zipc], axis=1)

    user_table = jax.random.normal(ks[5], (NUM_USERS + 1, USER_EMB), dtype=jnp.float32)
    # padding_idx=0 -> row 0 is zeros
    user_table = user_table.at[0].set(0.0)
    gender_table = jax.random.normal(ks[6], (2, FEAT_EMB), dtype=jnp.float32)
    age_table = jax.random.normal(ks[7], (NUM_AGES, FEAT_EMB), dtype=jnp.float32)
    occup_table = jax.random.normal(ks[8], (NUM_OCCUPS, FEAT_EMB), dtype=jnp.float32)
    zip_table = jax.random.normal(ks[9], (NUM_ZIPS, FEAT_EMB), dtype=jnp.float32)

    return {
        "categorical_feats": categorical_feats,
        "user_table": user_table,
        "gender_table": gender_table,
        "age_table": age_table,
        "occup_table": occup_table,
        "zip_table": zip_table,
    }


def reference(categorical_feats, user_table, gender_table, age_table, occup_table, zip_table):
    reps = [
        jnp.take(user_table, categorical_feats[:, 0], axis=0),
        jnp.take(gender_table, categorical_feats[:, 1], axis=0),
        jnp.take(age_table, categorical_feats[:, 2], axis=0),
        jnp.take(occup_table, categorical_feats[:, 3], axis=0),
        jnp.take(zip_table, categorical_feats[:, 4], axis=0),
    ]
    out = jnp.concatenate(reps, axis=1)
    return out

if __name__ == "__main__":
    import jax
    _d = setup_inputs()
    print(jax.jit(kernel)(*tuple(_d.values())))

</pallas_src>

<mosaic_0001>
#map = affine_map<(d0, d1) -> (0)>
#map1 = affine_map<(d0, d1) -> (0, 0)>
module attributes {stable_mosaic.version = 14 : i64} {
  func.func @_lookup_concat(%arg0: i32, %arg1: i32, %arg2: memref<81920xi32, #tpu.memory_space<hbm>>, %arg3: memref<6041x64xf32, #tpu.memory_space<hbm>>, %arg4: memref<480xf32, #tpu.memory_space<hbm>>, %arg5: memref<3439x16xf32, #tpu.memory_space<hbm>>, %arg6: memref<16384x128xf32, #tpu.memory_space<hbm>>, %arg7: memref<2560xi32, #tpu.memory_space<vmem>>, %arg8: memref<512x64xf32, #tpu.memory_space<vmem>>, %arg9: memref<512x16xf32, #tpu.memory_space<vmem>>, %arg10: memref<512x48xf32, #tpu.memory_space<vmem>>, %arg11: memref<480xf32, #tpu.memory_space<vmem>>, %arg12: memref<!tpu.dma_semaphore, #tpu.memory_space<semaphore_mem>>, %arg13: memref<!tpu.dma_semaphore, #tpu.memory_space<semaphore_mem>>, %arg14: memref<!tpu.dma_semaphore, #tpu.memory_space<semaphore_mem>>, %arg15: memref<!tpu.dma_semaphore, #tpu.memory_space<semaphore_mem>>) attributes {dimension_semantics = [#tpu.dimension_semantics<core_parallel>, #tpu.dimension_semantics<subcore_parallel>], iteration_bounds = array<i64: 2, 16>, scalar_prefetch = 0 : i64, scratch_operands = 9 : i64, tpu.core_type = #tpu.core_type<sc_vector_subcore>, window_params = [{transform_indices = #map}, {transform_indices = #map1}, {transform_indices = #map}, {transform_indices = #map1}, {transform_indices = #map1}]} {
    %mul3A = arith.constant 2 : i32
    %mul3A_0 = arith.muli %arg1, %mul3A : i32
    %add3A = arith.addi %mul3A_0, %arg0 : i32
    %mul3A_1 = arith.constant 512 : i32
    %mul3A_2 = arith.muli %add3A, %mul3A_1 : i32
    %mul3A_3 = arith.constant 5 : i32
    %mul3A_4 = arith.muli %add3A, %mul3A_3 : i32
    %mul3A_5 = arith.constant 512 : i32
    %mul3A_6 = arith.muli %mul3A_4, %mul3A_5 : i32
    %dma_start3A = tpu.memref_slice %arg2[%mul3A_6] : memref<81920xi32, #tpu.memory_space<hbm>> -> memref<2560xi32, #tpu.memory_space<hbm>>
    %dma_start3A_7 = tpu.memref_slice %arg2[%mul3A_6] : memref<81920xi32, #tpu.memory_space<hbm>> -> memref<2560xi32, #tpu.memory_space<hbm>>
    tpu.enqueue_dma source(%dma_start3A_7 : memref<2560xi32, #tpu.memory_space<hbm>>) target(%arg7 : memref<2560xi32, #tpu.memory_space<vmem>>) target_semaphore(%arg14 : memref<!tpu.dma_semaphore, #tpu.memory_space<semaphore_mem>>)
    tpu.enqueue_dma source(%arg4 : memref<480xf32, #tpu.memory_space<hbm>>) target(%arg11 : memref<480xf32, #tpu.memory_space<vmem>>) target_semaphore(%arg15 : memref<!tpu.dma_semaphore, #tpu.memory_space<semaphore_mem>>)
    %dma_wait3A = tpu.memref_slice %arg2[%mul3A_6] : memref<81920xi32, #tpu.memory_space<hbm>> -> memref<2560xi32, #tpu.memory_space<hbm>>
    %dma_wait3A_8 = tpu.memref_slice %arg2[%mul3A_6] : memref<81920xi32, #tpu.memory_space<hbm>> -> memref<2560xi32, #tpu.memory_space<hbm>>
    tpu.wait_dma2 semaphore(%arg14 : memref<!tpu.dma_semaphore, #tpu.memory_space<semaphore_mem>>) src(%dma_wait3A_8 : memref<2560xi32, #tpu.memory_space<hbm>>) dst(%arg7 : memref<2560xi32, #tpu.memory_space<vmem>>)
    %dma_start3A_9 = arith.constant 0 : i32
    %dma_start3A_10 = tpu.memref_slice %arg7[%dma_start3A_9] : memref<2560xi32, #tpu.memory_space<vmem>> -> memref<512xi32, #tpu.memory_space<vmem>>
    %dma_start3A_11 = arith.constant 0 : i32
    %dma_start3A_12 = arith.constant 0 : i32
    %dma_start3A_13 = tpu.memref_slice %arg3[%dma_start3A_11, %dma_start3A_12] : memref<6041x64xf32, #tpu.memory_space<hbm>> -> memref<6041x64xf32, #tpu.memory_space<hbm>>
    tpu.enqueue_indirect_dma source(%dma_start3A_13 : memref<6041x64xf32, #tpu.memory_space<hbm>>) target(%arg8 : memref<512x64xf32, #tpu.memory_space<vmem>>) offsets(%dma_start3A_10 : memref<512xi32, #tpu.memory_space<vmem>>) semaphore(%arg12 : memref<!tpu.dma_semaphore, #tpu.memory_space<semaphore_mem>>)
    %dma_start3A_14 = arith.constant 2048 : i32
    %dma_start3A_15 = tpu.memref_slice %arg7[%dma_start3A_14] : memref<2560xi32, #tpu.memory_space<vmem>> -> memref<512xi32, #tpu.memory_space<vmem>>
    %dma_start3A_16 = arith.constant 0 : i32
    %dma_start3A_17 = arith.constant 0 : i32
    %dma_start3A_18 = tpu.memref_slice %arg5[%dma_start3A_16, %dma_start3A_17] : memref<3439x16xf32, #tpu.memory_space<hbm>> -> memref<3439x16xf32, #tpu.memory_space<hbm>>
    tpu.enqueue_indirect_dma source(%dma_start3A_18 : memref<3439x16xf32, #tpu.memory_space<hbm>>) target(%arg9 : memref<512x16xf32, #tpu.memory_space<vmem>>) offsets(%dma_start3A_15 : memref<512xi32, #tpu.memory_space<vmem>>) semaphore(%arg13 : memref<!tpu.dma_semaphore, #tpu.memory_space<semaphore_mem>>)
    tpu.wait_dma2 semaphore(%arg15 : memref<!tpu.dma_semaphore, #tpu.memory_space<semaphore_mem>>) src(%arg4 : memref<480xf32, #tpu.memory_space<hbm>>) dst(%arg11 : memref<480xf32, #tpu.memory_space<vmem>>)
    %iota3A = tpu.iota {dimensions = array<i32: 0>} : vector<16xi32>
    %parallel_loop3A = arith.constant 0 : i32
    %parallel_loop3A_19 = arith.constant 32 : i32
    %parallel_loop3A_20 = arith.constant 1 : i32
    scf.for %parallel_loop3A_113 = %parallel_loop3A to %parallel_loop3A_19 step %parallel_loop3A_20  : i32 {
      %parallel_loop3A_114 = arith.constant 16 : i32
      %parallel_loop3A_115 = arith.muli %parallel_loop3A_113, %parallel_loop3A_114 : i32
      %parallel_loop3A_116 = arith.constant 512 : i32
      %parallel_loop3A_117 = arith.addi %parallel_loop3A_116, %parallel_loop3A_115 : i32
      %parallel_loop3A_118 = arith.index_cast %parallel_loop3A_117 : i32 to index
      %parallel_loop3A_119 = tpu.vector_load %arg7[%parallel_loop3A_118] {strides = array<i32>} : memref<2560xi32, #tpu.memory_space<vmem>>, vector<16xi32>,
      %parallel_loop3A_120 = arith.constant 16 : i32
      %parallel_loop3A_121 = vector.broadcast %parallel_loop3A_120 : i32 to vector<16xi32>
      %parallel_loop3A_122 = arith.muli %parallel_loop3A_119, %parallel_loop3A_121 : vector<16xi32>
      %parallel_loop3A_123 = arith.constant 16 : i32
      %parallel_loop3A_124 = arith.muli %parallel_loop3A_113, %parallel_loop3A_123 : i32
      %parallel_loop3A_125 = vector.broadcast %parallel_loop3A_124 : i32 to vector<16xi32>
      %parallel_loop3A_126 = arith.addi %iota3A, %parallel_loop3A_125 : vector<16xi32>
      %parallel_loop3A_127 = arith.constant 0 : i32
      %parallel_loop3A_128 = vector.broadcast %parallel_loop3A_127 : i32 to vector<16xi32>
      %parallel_loop3A_129 = arith.addi %parallel_loop3A_122, %parallel_loop3A_128 : vector<16xi32>
      %parallel_loop3A_130 = tpu.vector_load_idx %arg11[%parallel_loop3A_129] : memref<480xf32, #tpu.memory_space<vmem>>[vector<16xi32>], vector<16xf32>,
      %parallel_loop3A_131 = arith.constant 0 : i32
      %parallel_loop3A_132 = vector.broadcast %parallel_loop3A_131 : i32 to vector<16xi32>
      tpu.vector_store_idx %arg10[%parallel_loop3A_126, %parallel_loop3A_132], %parallel_loop3A_130 : memref<512x48xf32, #tpu.memory_space<vmem>>[vector<16xi32>, vector<16xi32>], vector<16xf32>,
      %parallel_loop3A_133 = arith.constant 1 : i32
      %parallel_loop3A_134 = vector.broadcast %parallel_loop3A_133 : i32 to vector<16xi32>
      %parallel_loop3A_135 = arith.addi %parallel_loop3A_122, %parallel_loop3A_134 : vector<16xi32>
      %parallel_loop3A_136 = tpu.vector_load_idx %arg11[%parallel_loop3A_135] : memref<480xf32, #tpu.memory_space<vmem>>[vector<16xi32>], vector<16xf32>,
      %parallel_loop3A_137 = arith.constant 1 : i32
      %parallel_loop3A_138 = vector.broadcast %parallel_loop3A_137 : i32 to vector<16xi32>
      tpu.vector_store_idx %arg10[%parallel_loop3A_126, %parallel_loop3A_138], %parallel_loop3A_136 : memref<512x48xf32, #tpu.memory_space<vmem>>[vector<16xi32>, vector<16xi32>], vector<16xf32>,
      %parallel_loop3A_139 = arith.constant 2 : i32
      %parallel_loop3A_140 = vector.broadcast %parallel_loop3A_139 : i32 to vector<16xi32>
      %parallel_loop3A_141 = arith.addi %parallel_loop3A_122, %parallel_loop3A_140 : vector<16xi32>
      %parallel_loop3A_142 = tpu.vector_load_idx %arg11[%parallel_loop3A_141] : memref<480xf32, #tpu.memory_space<vmem>>[vector<16xi32>], vector<16xf32>,
      %parallel_loop3A_143 = arith.constant 2 : i32
      %parallel_loop3A_144 = vector.broadcast %parallel_loop3A_143 : i32 to vector<16xi32>
      tpu.vector_store_idx %arg10[%parallel_loop3A_126, %parallel_loop3A_144], %parallel_loop3A_142 : memref<512x48xf32, #tpu.memory_space<vmem>>[vector<16xi32>, vector<16xi32>], vector<16xf32>,
      %parallel_loop3A_145 = arith.constant 3 : i32
      %parallel_loop3A_146 = vector.broadcast %parallel_loop3A_145 : i32 to vector<16xi32>
      %parallel_loop3A_147 = arith.addi %parallel_loop3A_122, %parallel_loop3A_146 : vector<16xi32>
      %parallel_loop3A_148 = tpu.vector_load_idx %arg11[%parallel_loop3A_147] : memref<480xf32, #tpu.memory_space<vmem>>[vector<16xi32>], vector<16xf32>,
      %parallel_loop3A_149 = arith.constant 3 : i32
      %parallel_loop3A_150 = vector.broadcast %parallel_loop3A_149 : i32 to vector<16xi32>
      tpu.vector_store_idx %arg10[%parallel_loop3A_126, %parallel_loop3A_150], %parallel_loop3A_148 : memref<512x48xf32, #tpu.memory_space<vmem>>[vector<16xi32>, vector<16xi32>], vector<16xf32>,
      %parallel_loop3A_151 = arith.constant 4 : i32
      %parallel_loop3A_152 = vector.broadcast %parallel_loop3A_151 : i32 to vector<16xi32>
      %parallel_loop3A_153 = arith.addi %parallel_loop3A_122, %parallel_loop3A_152 : vector<16xi32>
      %parallel_loop3A_154 = tpu.vector_load_idx %arg11[%parallel_loop3A_153] : memref<480xf32, #tpu.memory_space<vmem>>[vector<16xi32>], vector<16xf32>,
      %parallel_loop3A_155 = arith.constant 4 : i32
      %parallel_loop3A_156 = vector.broadcast %parallel_loop3A_155 : i32 to vector<16xi32>
      tpu.vector_store_idx %arg10[%parallel_loop3A_126, %parallel_loop3A_156], %parallel_loop3A_154 : memref<512x48xf32, #tpu.memory_space<vmem>>[vector<16xi32>, vector<16xi32>], vector<16xf32>,
      %parallel_loop3A_157 = arith.constant 5 : i32
      %parallel_loop3A_158 = vector.broadcast %parallel_loop3A_157 : i32 to vector<16xi32>
      %parallel_loop3A_159 = arith.addi %parallel_loop3A_122, %parallel_loop3A_158 : vector<16xi32>
      %parallel_loop3A_160 = tpu.vector_load_idx %arg11[%parallel_loop3A_159] : memref<480xf32, #tpu.memory_space<vmem>>[vector<16xi32>], vector<16xf32>,
      %parallel_loop3A_161 = arith.constant 5 : i32
      %parallel_loop3A_162 = vector.broadcast %parallel_loop3A_161 : i32 to vector<16xi32>
      tpu.vector_store_idx %arg10[%parallel_loop3A_126, %parallel_loop3A_162], %parallel_loop3A_160 : memref<512x48xf32, #tpu.memory_space<vmem>>[vector<16xi32>, vector<16xi32>], vector<16xf32>,
      %parallel_loop3A_163 = arith.constant 6 : i32
      %parallel_loop3A_164 = vector.broadcast %parallel_loop3A_163 : i32 to vector<16xi32>
      %parallel_loop3A_165 = arith.addi %parallel_loop3A_122, %parallel_loop3A_164 : vector<16xi32>
      %parallel_loop3A_166 = tpu.vector_load_idx %arg11[%parallel_loop3A_165] : memref<480xf32, #tpu.memory_space<vmem>>[vector<16xi32>], vector<16xf32>,
      %parallel_loop3A_167 = arith.constant 6 : i32
      %parallel_loop3A_168 = vector.broadcast %parallel_loop3A_167 : i32 to vector<16xi32>
      tpu.vector_store_idx %arg10[%parallel_loop3A_126, %parallel_loop3A_168], %parallel_loop3A_166 : memref<512x48xf32, #tpu.memory_space<vmem>>[vector<16xi32>, vector<16xi32>], vector<16xf32>,
      %parallel_loop3A_169 = arith.constant 7 : i32
      %parallel_loop3A_170 = vector.broadcast %parallel_loop3A_169 : i32 to vector<16xi32>
      %parallel_loop3A_171 = arith.addi %parallel_loop3A_122, %parallel_loop3A_170 : vector<16xi32>
      %parallel_loop3A_172 = tpu.vector_load_idx %arg11[%parallel_loop3A_171] : memref<480xf32, #tpu.memory_space<vmem>>[vector<16xi32>], vector<16xf32>,
      %parallel_loop3A_173 = arith.constant 7 : i32
      %parallel_loop3A_174 = vector.broadcast %parallel_loop3A_173 : i32 to vector<16xi32>
      tpu.vector_store_idx %arg10[%parallel_loop3A_126, %parallel_loop3A_174], %parallel_loop3A_172 : memref<512x48xf32, #tpu.memory_space<vmem>>[vector<16xi32>, vector<16xi32>], vector<16xf32>,
      %parallel_loop3A_175 = arith.constant 8 : i32
      %parallel_loop3A_176 = vector.broadcast %parallel_loop3A_175 : i32 to vector<16xi32>
      %parallel_loop3A_177 = arith.addi %parallel_loop3A_122, %parallel_loop3A_176 : vector<16xi32>
      %parallel_loop3A_178 = tpu.vector_load_idx %arg11[%parallel_loop3A_177] : memref<480xf32, #tpu.memory_space<vmem>>[vector<16xi32>], vector<16xf32>,
      %parallel_loop3A_179 = arith.constant 8 : i32
      %parallel_loop3A_180 = vector.broadcast %parallel_loop3A_179 : i32 to vector<16xi32>
      tpu.vector_store_idx %arg10[%parallel_loop3A_126, %parallel_loop3A_180], %parallel_loop3A_178 : memref<512x48xf32, #tpu.memory_space<vmem>>[vector<16xi32>, vector<16xi32>], vector<16xf32>,
      %parallel_loop3A_181 = arith.constant 9 : i32
      %parallel_loop3A_182 = vector.broadcast %parallel_loop3A_181 : i32 to vector<16xi32>
      %parallel_loop3A_183 = arith.addi %parallel_loop3A_122, %parallel_loop3A_182 : vector<16xi32>
      %parallel_loop3A_184 = tpu.vector_load_idx %arg11[%parallel_loop3A_183] : memref<480xf32, #tpu.memory_space<vmem>>[vector<16xi32>], vector<16xf32>,
      %parallel_loop3A_185 = arith.constant 9 : i32
      %parallel_loop3A_186 = vector.broadcast %parallel_loop3A_185 : i32 to vector<16xi32>
      tpu.vector_store_idx %arg10[%parallel_loop3A_126, %parallel_loop3A_186], %parallel_loop3A_184 : memref<512x48xf32, #tpu.memory_space<vmem>>[vector<16xi32>, vector<16xi32>], vector<16xf32>,
      %parallel_loop3A_187 = arith.constant 10 : i32
      %parallel_loop3A_188 = vector.broadcast %parallel_loop3A_187 : i32 to vector<16xi32>
      %parallel_loop3A_189 = arith.addi %parallel_loop3A_122, %parallel_loop3A_188 : vector<16xi32>
      %parallel_loop3A_190 = tpu.vector_load_idx %arg11[%parallel_loop3A_189] : memref<480xf32, #tpu.memory_space<vmem>>[vector<16xi32>], vector<16xf32>,
      %parallel_loop3A_191 = arith.constant 10 : i32
      %parallel_loop3A_192 = vector.broadcast %parallel_loop3A_191 : i32 to vector<16xi32>
      tpu.vector_store_idx %arg10[%parallel_loop3A_126, %parallel_loop3A_192], %parallel_loop3A_190 : memref<512x48xf32, #tpu.memory_space<vmem>>[vector<16xi32>, vector<16xi32>], vector<16xf32>,
      %parallel_loop3A_193 = arith.constant 11 : i32
      %parallel_loop3A_194 = vector.broadcast %parallel_loop3A_193 : i32 to vector<16xi32>
      %parallel_loop3A_195 = arith.addi %parallel_loop3A_122, %parallel_loop3A_194 : vector<16xi32>
      %parallel_loop3A_196 = tpu.vector_load_idx %arg11[%parallel_loop3A_195] : memref<480xf32, #tpu.memory_space<vmem>>[vector<16xi32>], vector<16xf32>,
      %parallel_loop3A_197 = arith.constant 11 : i32
      %parallel_loop3A_198 = vector.broadcast %parallel_loop3A_197 : i32 to vector<16xi32>
      tpu.vector_store_idx %arg10[%parallel_loop3A_126, %parallel_loop3A_198], %parallel_loop3A_196 : memref<512x48xf32, #tpu.memory_space<vmem>>[vector<16xi32>, vector<16xi32>], vector<16xf32>,
      %parallel_loop3A_199 = arith.constant 12 : i32
      %parallel_loop3A_200 = vector.broadcast %parallel_loop3A_199 : i32 to vector<16xi32>
      %parallel_loop3A_201 = arith.addi %parallel_loop3A_122, %parallel_loop3A_200 : vector<16xi32>
      %parallel_loop3A_202 = tpu.vector_load_idx %arg11[%parallel_loop3A_201] : memref<480xf32, #tpu.memory_space<vmem>>[vector<16xi32>], vector<16xf32>,
      %parallel_loop3A_203 = arith.constant 12 : i32
      %parallel_loop3A_204 = vector.broadcast %parallel_loop3A_203 : i32 to vector<16xi32>
      tpu.vector_store_idx %arg10[%parallel_loop3A_126, %parallel_loop3A_204], %parallel_loop3A_202 : memref<512x48xf32, #tpu.memory_space<vmem>>[vector<16xi32>, vector<16xi32>], vector<16xf32>,
      %parallel_loop3A_205 = arith.constant 13 : i32
      %parallel_loop3A_206 = vector.broadcast %parallel_loop3A_205 : i32 to vector<16xi32>
      %parallel_loop3A_207 = arith.addi %parallel_loop3A_122, %parallel_loop3A_206 : vector<16xi32>
      %parallel_loop3A_208 = tpu.vector_load_idx %arg11[%parallel_loop3A_207] : memref<480xf32, #tpu.memory_space<vmem>>[vector<16xi32>], vector<16xf32>,
      %parallel_loop3A_209 = arith.constant 13 : i32
      %parallel_loop3A_210 = vector.broadcast %parallel_loop3A_209 : i32 to vector<16xi32>
      tpu.vector_store_idx %arg10[%parallel_loop3A_126, %parallel_loop3A_210], %parallel_loop3A_208 : memref<512x48xf32, #tpu.memory_space<vmem>>[vector<16xi32>, vector<16xi32>], vector<16xf32>,
      %parallel_loop3A_211 = arith.constant 14 : i32
      %parallel_loop3A_212 = vector.broadcast %parallel_loop3A_211 : i32 to vector<16xi32>
      %parallel_loop3A_213 = arith.addi %parallel_loop3A_122, %parallel_loop3A_212 : vector<16xi32>
      %parallel_loop3A_214 = tpu.vector_load_idx %arg11[%parallel_loop3A_213] : memref<480xf32, #tpu.memory_space<vmem>>[vector<16xi32>], vector<16xf32>,
      %parallel_loop3A_215 = arith.constant 14 : i32
      %parallel_loop3A_216 = vector.broadcast %parallel_loop3A_215 : i32 to vector<16xi32>
      tpu.vector_store_idx %arg10[%parallel_loop3A_126, %parallel_loop3A_216], %parallel_loop3A_214 : memref<512x48xf32, #tpu.memory_space<vmem>>[vector<16xi32>, vector<16xi32>], vector<16xf32>,
      %parallel_loop3A_217 = arith.constant 15 : i32
      %parallel_loop3A_218 = vector.broadcast %parallel_loop3A_217 : i32 to vector<16xi32>
      %parallel_loop3A_219 = arith.addi %parallel_loop3A_122, %parallel_loop3A_218 : vector<16xi32>
      %parallel_loop3A_220 = tpu.vector_load_idx %arg11[%parallel_loop3A_219] : memref<480xf32, #tpu.memory_space<vmem>>[vector<16xi32>], vector<16xf32>,
      %parallel_loop3A_221 = arith.constant 15 : i32
      %parallel_loop3A_222 = vector.broadcast %parallel_loop3A_221 : i32 to vector<16xi32>
      tpu.vector_store_idx %arg10[%parallel_loop3A_126, %parallel_loop3A_222], %parallel_loop3A_220 : memref<512x48xf32, #tpu.memory_space<vmem>>[vector<16xi32>, vector<16xi32>], vector<16xf32>,
    } {sc.loop_unroll_factor = 2 : i64, sc.parallel_access}
    %dma_start3A_21 = arith.constant 0 : i32
    %dma_start3A_22 = arith.constant 0 : i32
    %dma_start3A_23 = tpu.memref_slice %arg10[%dma_start3A_21, %dma_start3A_22] : memref<512x48xf32, #tpu.memory_space<vmem>> -> memref<512x16xf32, #tpu.memory_space<vmem>>
    %dma_start3A_24 = arith.constant 64 : i32
    %dma_start3A_25 = tpu.memref_slice %arg6[%mul3A_2, %dma_start3A_24] : memref<16384x128xf32, #tpu.memory_space<hbm>> -> memref<512x16xf32, #tpu.memory_space<hbm>>
    %dma_start3A_26 = arith.constant 64 : i32
    %dma_start3A_27 = tpu.memref_slice %arg6[%mul3A_2, %dma_start3A_26] : memref<16384x128xf32, #tpu.memory_space<hbm>> -> memref<512x16xf32, #tpu.memory_space<hbm>>
    %dma_start3A_28 = arith.constant 0 : i32
    %dma_start3A_29 = arith.constant 0 : i32
    %dma_start3A_30 = tpu.memref_slice %arg10[%dma_start3A_28, %dma_start3A_29] : memref<512x48xf32, #tpu.memory_space<vmem>> -> memref<512x16xf32, #tpu.memory_space<vmem>>
    tpu.enqueue_dma source(%dma_start3A_30 : memref<512x16xf32, #tpu.memory_space<vmem>>) target(%dma_start3A_27 : memref<512x16xf32, #tpu.memory_space<hbm>>) target_semaphore(%arg15 : memref<!tpu.dma_semaphore, #tpu.memory_space<semaphore_mem>>)
    %parallel_loop3A_31 = arith.constant 0 : i32
    %parallel_loop3A_32 = arith.constant 32 : i32
    %parallel_loop3A_33 = arith.constant 1 : i32
    scf.for %parallel_loop3A_113 = %parallel_loop3A_31 to %parallel_loop3A_32 step %parallel_loop3A_33  : i32 {
      %parallel_loop3A_114 = arith.constant 16 : i32
      %parallel_loop3A_115 = arith.muli %parallel_loop3A_113, %parallel_loop3A_114 : i32
      %parallel_loop3A_116 = arith.constant 1024 : i32
      %parallel_loop3A_117 = arith.addi %parallel_loop3A_116, %parallel_loop3A_115 : i32
      %parallel_loop3A_118 = arith.index_cast %parallel_loop3A_117 : i32 to index
      %parallel_loop3A_119 = tpu.vector_load %arg7[%parallel_loop3A_118] {strides = array<i32>} : memref<2560xi32, #tpu.memory_space<vmem>>, vector<16xi32>,
      %parallel_loop3A_120 = arith.constant 16 : i32
      %parallel_loop3A_121 = vector.broadcast %parallel_loop3A_120 : i32 to vector<16xi32>
      %parallel_loop3A_122 = arith.muli %parallel_loop3A_119, %parallel_loop3A_121 : vector<16xi32>
      %parallel_loop3A_123 = arith.constant 16 : i32
      %parallel_loop3A_124 = arith.muli %parallel_loop3A_113, %parallel_loop3A_123 : i32
      %parallel_loop3A_125 = vector.broadcast %parallel_loop3A_124 : i32 to vector<16xi32>
      %parallel_loop3A_126 = arith.addi %iota3A, %parallel_loop3A_125 : vector<16xi32>
      %parallel_loop3A_127 = arith.constant 0 : i32
      %parallel_loop3A_128 = vector.broadcast %parallel_loop3A_127 : i32 to vector<16xi32>
      %parallel_loop3A_129 = arith.addi %parallel_loop3A_122, %parallel_loop3A_128 : vector<16xi32>
      %parallel_loop3A_130 = tpu.vector_load_idx %arg11[%parallel_loop3A_129] : memref<480xf32, #tpu.memory_space<vmem>>[vector<16xi32>], vector<16xf32>,
      %parallel_loop3A_131 = arith.constant 16 : i32
      %parallel_loop3A_132 = vector.broadcast %parallel_loop3A_131 : i32 to vector<16xi32>
      tpu.vector_store_idx %arg10[%parallel_loop3A_126, %parallel_loop3A_132], %parallel_loop3A_130 : memref<512x48xf32, #tpu.memory_space<vmem>>[vector<16xi32>, vector<16xi32>], vector<16xf32>,
      %parallel_loop3A_133 = arith.constant 1 : i32
      %parallel_loop3A_134 = vector.broadcast %parallel_loop3A_133 : i32 to vector<16xi32>
      %parallel_loop3A_135 = arith.addi %parallel_loop3A_122, %parallel_loop3A_134 : vector<16xi32>
      %parallel_loop3A_136 = tpu.vector_load_idx %arg11[%parallel_loop3A_135] : memref<480xf32, #tpu.memory_space<vmem>>[vector<16xi32>], vector<16xf32>,
      %parallel_loop3A_137 = arith.constant 17 : i32
      %parallel_loop3A_138 = vector.broadcast %parallel_loop3A_137 : i32 to vector<16xi32>
      tpu.vector_store_idx %arg10[%parallel_loop3A_126, %parallel_loop3A_138], %parallel_loop3A_136 : memref<512x48xf32, #tpu.memory_space<vmem>>[vector<16xi32>, vector<16xi32>], vector<16xf32>,
      %parallel_loop3A_139 = arith.constant 2 : i32
      %parallel_loop3A_140 = vector.broadcast %parallel_loop3A_139 : i32 to vector<16xi32>
      %parallel_loop3A_141 = arith.addi %parallel_loop3A_122, %parallel_loop3A_140 : vector<16xi32>
      %parallel_loop3A_142 = tpu.vector_load_idx %arg11[%parallel_loop3A_141] : memref<480xf32, #tpu.memory_space<vmem>>[vector<16xi32>], vector<16xf32>,
      %parallel_loop3A_143 = arith.constant 18 : i32
      %parallel_loop3A_144 = vector.broadcast %parallel_loop3A_143 : i32 to vector<16xi32>
      tpu.vector_store_idx %arg10[%parallel_loop3A_126, %parallel_loop3A_144], %parallel_loop3A_142 : memref<512x48xf32, #tpu.memory_space<vmem>>[vector<16xi32>, vector<16xi32>], vector<16xf32>,
      %parallel_loop3A_145 = arith.constant 3 : i32
      %parallel_loop3A_146 = vector.broadcast %parallel_loop3A_145 : i32 to vector<16xi32>
      %parallel_loop3A_147 = arith.addi %parallel_loop3A_122, %parallel_loop3A_146 : vector<16xi32>
      %parallel_loop3A_148 = tpu.vector_load_idx %arg11[%parallel_loop3A_147] : memref<480xf32, #tpu.memory_space<vmem>>[vector<16xi32>], vector<16xf32>,
      %parallel_loop3A_149 = arith.constant 19 : i32
      %parallel_loop3A_150 = vector.broadcast %parallel_loop3A_149 : i32 to vector<16xi32>
      tpu.vector_store_idx %arg10[%parallel_loop3A_126, %parallel_loop3A_150], %parallel_loop3A_148 : memref<512x48xf32, #tpu.memory_space<vmem>>[vector<16xi32>, vector<16xi32>], vector<16xf32>,
      %parallel_loop3A_151 = arith.constant 4 : i32
      %parallel_loop3A_152 = vector.broadcast %parallel_loop3A_151 : i32 to vector<16xi32>
      %parallel_loop3A_153 = arith.addi %parallel_loop3A_122, %parallel_loop3A_152 : vector<16xi32>
      %parallel_loop3A_154 = tpu.vector_load_idx %arg11[%parallel_loop3A_153] : memref<480xf32, #tpu.memory_space<vmem>>[vector<16xi32>], vector<16xf32>,
      %parallel_loop3A_155 = arith.constant 20 : i32
      %parallel_loop3A_156 = vector.broadcast %parallel_loop3A_155 : i32 to vector<16xi32>
      tpu.vector_store_idx %arg10[%parallel_loop3A_126, %parallel_loop3A_156], %parallel_loop3A_154 : memref<512x48xf32, #tpu.memory_space<vmem>>[vector<16xi32>, vector<16xi32>], vector<16xf32>,
      %parallel_loop3A_157 = arith.constant 5 : i32
      %parallel_loop3A_158 = vector.broadcast %parallel_loop3A_157 : i32 to vector<16xi32>
      %parallel_loop3A_159 = arith.addi %parallel_loop3A_122, %parallel_loop3A_158 : vector<16xi32>
      %parallel_loop3A_160 = tpu.vector_load_idx %arg11[%parallel_loop3A_159] : memref<480xf32, #tpu.memory_space<vmem>>[vector<16xi32>], vector<16xf32>,
      %parallel_loop3A_161 = arith.constant 21 : i32
      %parallel_loop3A_162 = vector.broadcast %parallel_loop3A_161 : i32 to vector<16xi32>
      tpu.vector_store_idx %arg10[%parallel_loop3A_126, %parallel_loop3A_162], %parallel_loop3A_160 : memref<512x48xf32, #tpu.memory_space<vmem>>[vector<16xi32>, vector<16xi32>], vector<16xf32>,
      %parallel_loop3A_163 = arith.constant 6 : i32
      %parallel_loop3A_164 = vector.broadcast %parallel_loop3A_163 : i32 to vector<16xi32>
      %parallel_loop3A_165 = arith.addi %parallel_loop3A_122, %parallel_loop3A_164 : vector<16xi32>
      %parallel_loop3A_166 = tpu.vector_load_idx %arg11[%parallel_loop3A_165] : memref<480xf32, #tpu.memory_space<vmem>>[vector<16xi32>], vector<16xf32>,
      %parallel_loop3A_167 = arith.constant 22 : i32
      %parallel_loop3A_168 = vector.broadcast %parallel_loop3A_167 : i32 to vector<16xi32>
      tpu.vector_store_idx %arg10[%parallel_loop3A_126, %parallel_loop3A_168], %parallel_loop3A_166 : memref<512x48xf32, #tpu.memory_space<vmem>>[vector<16xi32>, vector<16xi32>], vector<16xf32>,
      %parallel_loop3A_169 = arith.constant 7 : i32
      %parallel_loop3A_170 = vector.broadcast %parallel_loop3A_169 : i32 to vector<16xi32>
      %parallel_loop3A_171 = arith.addi %parallel_loop3A_122, %parallel_loop3A_170 : vector<16xi32>
      %parallel_loop3A_172 = tpu.vector_load_idx %arg11[%parallel_loop3A_171] : memref<480xf32, #tpu.memory_space<vmem>>[vector<16xi32>], vector<16xf32>,
      %parallel_loop3A_173 = arith.constant 23 : i32
      %parallel_loop3A_174 = vector.broadcast %parallel_loop3A_173 : i32 to vector<16xi32>
      tpu.vector_store_idx %arg10[%parallel_loop3A_126, %parallel_loop3A_174], %parallel_loop3A_172 : memref<512x48xf32, #tpu.memory_space<vmem>>[vector<16xi32>, vector<16xi32>], vector<16xf32>,
      %parallel_loop3A_175 = arith.constant 8 : i32
      %parallel_loop3A_176 = vector.broadcast %parallel_loop3A_175 : i32 to vector<16xi32>
      %parallel_loop3A_177 = arith.addi %parallel_loop3A_122, %parallel_loop3A_176 : vector<16xi32>
      %parallel_loop3A_178 = tpu.vector_load_idx %arg11[%parallel_loop3A_177] : memref<480xf32, #tpu.memory_space<vmem>>[vector<16xi32>], vector<16xf32>,
      %parallel_loop3A_179 = arith.constant 24 : i32
      %parallel_loop3A_180 = vector.broadcast %parallel_loop3A_179 : i32 to vector<16xi32>
      tpu.vector_store_idx %arg10[%parallel_loop3A_126, %parallel_loop3A_180], %parallel_loop3A_178 : memref<512x48xf32, #tpu.memory_space<vmem>>[vector<16xi32>, vector<16xi32>], vector<16xf32>,
      %parallel_loop3A_181 = arith.constant 9 : i32
      %parallel_loop3A_182 = vector.broadcast %parallel_loop3A_181 : i32 to vector<16xi32>
      %parallel_loop3A_183 = arith.addi %parallel_loop3A_122, %parallel_loop3A_182 : vector<16xi32>
      %parallel_loop3A_184 = tpu.vector_load_idx %arg11[%parallel_loop3A_183] : memref<480xf32, #tpu.memory_space<vmem>>[vector<16xi32>], vector<16xf32>,
      %parallel_loop3A_185 = arith.constant 25 : i32
      %parallel_loop3A_186 = vector.broadcast %parallel_loop3A_185 : i32 to vector<16xi32>
      tpu.vector_store_idx %arg10[%parallel_loop3A_126, %parallel_loop3A_186], %parallel_loop3A_184 : memref<512x48xf32, #tpu.memory_space<vmem>>[vector<16xi32>, vector<16xi32>], vector<16xf32>,
      %parallel_loop3A_187 = arith.constant 10 : i32
      %parallel_loop3A_188 = vector.broadcast %parallel_loop3A_187 : i32 to vector<16xi32>
      %parallel_loop3A_189 = arith.addi %parallel_loop3A_122, %parallel_loop3A_188 : vector<16xi32>
      %parallel_loop3A_190 = tpu.vector_load_idx %arg11[%parallel_loop3A_189] : memref<480xf32, #tpu.memory_space<vmem>>[vector<16xi32>], vector<16xf32>,
      %parallel_loop3A_191 = arith.constant 26 : i32
      %parallel_loop3A_192 = vector.broadcast %parallel_loop3A_191 : i32 to vector<16xi32>
      tpu.vector_store_idx %arg10[%parallel_loop3A_126, %parallel_loop3A_192], %parallel_loop3A_190 : memref<512x48xf32, #tpu.memory_space<vmem>>[vector<16xi32>, vector<16xi32>], vector<16xf32>,
      %parallel_loop3A_193 = arith.constant 11 : i32
      %parallel_loop3A_194 = vector.broadcast %parallel_loop3A_193 : i32 to vector<16xi32>
      %parallel_loop3A_195 = arith.addi %parallel_loop3A_122, %parallel_loop3A_194 : vector<16xi32>
      %parallel_loop3A_196 = tpu.vector_load_idx %arg11[%parallel_loop3A_195] : memref<480xf32, #tpu.memory_space<vmem>>[vector<16xi32>], vector<16xf32>,
      %parallel_loop3A_197 = arith.constant 27 : i32
      %parallel_loop3A_198 = vector.broadcast %parallel_loop3A_197 : i32 to vector<16xi32>
      tpu.vector_store_idx %arg10[%parallel_loop3A_126, %parallel_loop3A_198], %parallel_loop3A_196 : memref<512x48xf32, #tpu.memory_space<vmem>>[vector<16xi32>, vector<16xi32>], vector<16xf32>,
      %parallel_loop3A_199 = arith.constant 12 : i32
      %parallel_loop3A_200 = vector.broadcast %parallel_loop3A_199 : i32 to vector<16xi32>
      %parallel_loop3A_201 = arith.addi %parallel_loop3A_122, %parallel_loop3A_200 : vector<16xi32>
      %parallel_loop3A_202 = tpu.vector_load_idx %arg11[%parallel_loop3A_201] : memref<480xf32, #tpu.memory_space<vmem>>[vector<16xi32>], vector<16xf32>,
      %parallel_loop3A_203 = arith.constant 28 : i32
      %parallel_loop3A_204 = vector.broadcast %parallel_loop3A_203 : i32 to vector<16xi32>
      tpu.vector_store_idx %arg10[%parallel_loop3A_126, %parallel_loop3A_204], %parallel_loop3A_202 : memref<512x48xf32, #tpu.memory_space<vmem>>[vector<16xi32>, vector<16xi32>], vector<16xf32>,
      %parallel_loop3A_205 = arith.constant 13 : i32
      %parallel_loop3A_206 = vector.broadcast %parallel_loop3A_205 : i32 to vector<16xi32>
      %parallel_loop3A_207 = arith.addi %parallel_loop3A_122, %parallel_loop3A_206 : vector<16xi32>
      %parallel_loop3A_208 = tpu.vector_load_idx %arg11[%parallel_loop3A_207] : memref<480xf32, #tpu.memory_space<vmem>>[vector<16xi32>], vector<16xf32>,
      %parallel_loop3A_209 = arith.constant 29 : i32
      %parallel_loop3A_210 = vector.broadcast %parallel_loop3A_209 : i32 to vector<16xi32>
      tpu.vector_store_idx %arg10[%parallel_loop3A_126, %parallel_loop3A_210], %parallel_loop3A_208 : memref<512x48xf32, #tpu.memory_space<vmem>>[vector<16xi32>, vector<16xi32>], vector<16xf32>,
      %parallel_loop3A_211 = arith.constant 14 : i32
      %parallel_loop3A_212 = vector.broadcast %parallel_loop3A_211 : i32 to vector<16xi32>
      %parallel_loop3A_213 = arith.addi %parallel_loop3A_122, %parallel_loop3A_212 : vector<16xi32>
      %parallel_loop3A_214 = tpu.vector_load_idx %arg11[%parallel_loop3A_213] : memref<480xf32, #tpu.memory_space<vmem>>[vector<16xi32>], vector<16xf32>,
      %parallel_loop3A_215 = arith.constant 30 : i32
      %parallel_loop3A_216 = vector.broadcast %parallel_loop3A_215 : i32 to vector<16xi32>
      tpu.vector_store_idx %arg10[%parallel_loop3A_126, %parallel_loop3A_216], %parallel_loop3A_214 : memref<512x48xf32, #tpu.memory_space<vmem>>[vector<16xi32>, vector<16xi32>], vector<16xf32>,
      %parallel_loop3A_217 = arith.constant 15 : i32
      %parallel_loop3A_218 = vector.broadcast %parallel_loop3A_217 : i32 to vector<16xi32>
      %parallel_loop3A_219 = arith.addi %parallel_loop3A_122, %parallel_loop3A_218 : vector<16xi32>
      %parallel_loop3A_220 = tpu.vector_load_idx %arg11[%parallel_loop3A_219] : memref<480xf32, #tpu.memory_space<vmem>>[vector<16xi32>], vector<16xf32>,
      %parallel_loop3A_221 = arith.constant 31 : i32
      %parallel_loop3A_222 = vector.broadcast %parallel_loop3A_221 : i32 to vector<16xi32>
      tpu.vector_store_idx %arg10[%parallel_loop3A_126, %parallel_loop3A_222], %parallel_loop3A_220 : memref<512x48xf32, #tpu.memory_space<vmem>>[vector<16xi32>, vector<16xi32>], vector<16xf32>,
    } {sc.loop_unroll_factor = 2 : i64, sc.parallel_access}
    %dma_start3A_34 = arith.constant 0 : i32
    %dma_start3A_35 = arith.constant 16 : i32
    %dma_start3A_36 = tpu.memref_slice %arg10[%dma_start3A_34, %dma_start3A_35] : memref<512x48xf32, #tpu.memory_space<vmem>> -> memref<512x16xf32, #tpu.memory_space<vmem>>
    %dma_start3A_37 = arith.constant 80 : i32
    %dma_start3A_38 = tpu.memref_slice %arg6[%mul3A_2, %dma_start3A_37] : memref<16384x128xf32, #tpu.memory_space<hbm>> -> memref<512x16xf32, #tpu.memory_space<hbm>>
    %dma_start3A_39 = arith.constant 80 : i32
    %dma_start3A_40 = tpu.memref_slice %arg6[%mul3A_2, %dma_start3A_39] : memref<16384x128xf32, #tpu.memory_space<hbm>> -> memref<512x16xf32, #tpu.memory_space<hbm>>
    %dma_start3A_41 = arith.constant 0 : i32
    %dma_start3A_42 = arith.constant 16 : i32
    %dma_start3A_43 = tpu.memref_slice %arg10[%dma_start3A_41, %dma_start3A_42] : memref<512x48xf32, #tpu.memory_space<vmem>> -> memref<512x16xf32, #tpu.memory_space<vmem>>
    tpu.enqueue_dma source(%dma_start3A_43 : memref<512x16xf32, #tpu.memory_space<vmem>>) target(%dma_start3A_40 : memref<512x16xf32, #tpu.memory_space<hbm>>) target_semaphore(%arg15 : memref<!tpu.dma_semaphore, #tpu.memory_space<semaphore_mem>>)
    %parallel_loop3A_44 = arith.constant 0 : i32
    %parallel_loop3A_45 = arith.constant 32 : i32
    %parallel_loop3A_46 = arith.constant 1 : i32
    scf.for %parallel_loop3A_113 = %parallel_loop3A_44 to %parallel_loop3A_45 step %parallel_loop3A_46  : i32 {
      %parallel_loop3A_114 = arith.constant 16 : i32
      %parallel_loop3A_115 = arith.muli %parallel_loop3A_113, %parallel_loop3A_114 : i32
      %parallel_loop3A_116 = arith.constant 1536 : i32
      %parallel_loop3A_117 = arith.addi %parallel_loop3A_116, %parallel_loop3A_115 : i32
      %parallel_loop3A_118 = arith.index_cast %parallel_loop3A_117 : i32 to index
      %parallel_loop3A_119 = tpu.vector_load %arg7[%parallel_loop3A_118] {strides = array<i32>} : memref<2560xi32, #tpu.memory_space<vmem>>, vector<16xi32>,
      %parallel_loop3A_120 = arith.constant 16 : i32
      %parallel_loop3A_121 = vector.broadcast %parallel_loop3A_120 : i32 to vector<16xi32>
      %parallel_loop3A_122 = arith.muli %parallel_loop3A_119, %parallel_loop3A_121 : vector<16xi32>
      %parallel_loop3A_123 = arith.constant 16 : i32
      %parallel_loop3A_124 = arith.muli %parallel_loop3A_113, %parallel_loop3A_123 : i32
      %parallel_loop3A_125 = vector.broadcast %parallel_loop3A_124 : i32 to vector<16xi32>
      %parallel_loop3A_126 = arith.addi %iota3A, %parallel_loop3A_125 : vector<16xi32>
      %parallel_loop3A_127 = arith.constant 0 : i32
      %parallel_loop3A_128 = vector.broadcast %parallel_loop3A_127 : i32 to vector<16xi32>
      %parallel_loop3A_129 = arith.addi %parallel_loop3A_122, %parallel_loop3A_128 : vector<16xi32>
      %parallel_loop3A_130 = tpu.vector_load_idx %arg11[%parallel_loop3A_129] : memref<480xf32, #tpu.memory_space<vmem>>[vector<16xi32>], vector<16xf32>,
      %parallel_loop3A_131 = arith.constant 32 : i32
      %parallel_loop3A_132 = vector.broadcast %parallel_loop3A_131 : i32 to vector<16xi32>
      tpu.vector_store_idx %arg10[%parallel_loop3A_126, %parallel_loop3A_132], %parallel_loop3A_130 : memref<512x48xf32, #tpu.memory_space<vmem>>[vector<16xi32>, vector<16xi32>], vector<16xf32>,
      %parallel_loop3A_133 = arith.constant 1 : i32
      %parallel_loop3A_134 = vector.broadcast %parallel_loop3A_133 : i32 to vector<16xi32>
      %parallel_loop3A_135 = arith.addi %parallel_loop3A_122, %parallel_loop3A_134 : vector<16xi32>
      %parallel_loop3A_136 = tpu.vector_load_idx %arg11[%parallel_loop3A_135] : memref<480xf32, #tpu.memory_space<vmem>>[vector<16xi32>], vector<16xf32>,
      %parallel_loop3A_137 = arith.constant 33 : i32
      %parallel_loop3A_138 = vector.broadcast %parallel_loop3A_137 : i32 to vector<16xi32>
      tpu.vector_store_idx %arg10[%parallel_loop3A_126, %parallel_loop3A_138], %parallel_loop3A_136 : memref<512x48xf32, #tpu.memory_space<vmem>>[vector<16xi32>, vector<16xi32>], vector<16xf32>,
      %parallel_loop3A_139 = arith.constant 2 : i32
      %parallel_loop3A_140 = vector.broadcast %parallel_loop3A_139 : i32 to vector<16xi32>
      %parallel_loop3A_141 = arith.addi %parallel_loop3A_122, %parallel_loop3A_140 : vector<16xi32>
      %parallel_loop3A_142 = tpu.vector_load_idx %arg11[%parallel_loop3A_141] : memref<480xf32, #tpu.memory_space<vmem>>[vector<16xi32>], vector<16xf32>,
      %parallel_loop3A_143 = arith.constant 34 : i32
      %parallel_loop3A_144 = vector.broadcast %parallel_loop3A_143 : i32 to vector<16xi32>
      tpu.vector_store_idx %arg10[%parallel_loop3A_126, %parallel_loop3A_144], %parallel_loop3A_142 : memref<512x48xf32, #tpu.memory_space<vmem>>[vector<16xi32>, vector<16xi32>], vector<16xf32>,
      %parallel_loop3A_145 = arith.constant 3 : i32
      %parallel_loop3A_146 = vector.broadcast %parallel_loop3A_145 : i32 to vector<16xi32>
      %parallel_loop3A_147 = arith.addi %parallel_loop3A_122, %parallel_loop3A_146 : vector<16xi32>
      %parallel_loop3A_148 = tpu.vector_load_idx %arg11[%parallel_loop3A_147] : memref<480xf32, #tpu.memory_space<vmem>>[vector<16xi32>], vector<16xf32>,
      %parallel_loop3A_149 = arith.constant 35 : i32
      %parallel_loop3A_150 = vector.broadcast %parallel_loop3A_149 : i32 to vector<16xi32>
      tpu.vector_store_idx %arg10[%parallel_loop3A_126, %parallel_loop3A_150], %parallel_loop3A_148 : memref<512x48xf32, #tpu.memory_space<vmem>>[vector<16xi32>, vector<16xi32>], vector<16xf32>,
      %parallel_loop3A_151 = arith.constant 4 : i32
      %parallel_loop3A_152 = vector.broadcast %parallel_loop3A_151 : i32 to vector<16xi32>
      %parallel_loop3A_153 = arith.addi %parallel_loop3A_122, %parallel_loop3A_152 : vector<16xi32>
      %parallel_loop3A_154 = tpu.vector_load_idx %arg11[%parallel_loop3A_153] : memref<480xf32, #tpu.memory_space<vmem>>[vector<16xi32>], vector<16xf32>,
      %parallel_loop3A_155 = arith.constant 36 : i32
      %parallel_loop3A_156 = vector.broadcast %parallel_loop3A_155 : i32 to vector<16xi32>
      tpu.vector_store_idx %arg10[%parallel_loop3A_126, %parallel_loop3A_156], %parallel_loop3A_154 : memref<512x48xf32, #tpu.memory_space<vmem>>[vector<16xi32>, vector<16xi32>], vector<16xf32>,
      %parallel_loop3A_157 = arith.constant 5 : i32
      %parallel_loop3A_158 = vector.broadcast %parallel_loop3A_157 : i32 to vector<16xi32>
      %parallel_loop3A_159 = arith.addi %parallel_loop3A_122, %parallel_loop3A_158 : vector<16xi32>
      %parallel_loop3A_160 = tpu.vector_load_idx %arg11[%parallel_loop3A_159] : memref<480xf32, #tpu.memory_space<vmem>>[vector<16xi32>], vector<16xf32>,
      %parallel_loop3A_161 = arith.constant 37 : i32
      %parallel_loop3A_162 = vector.broadcast %parallel_loop3A_161 : i32 to vector<16xi32>
      tpu.vector_store_idx %arg10[%parallel_loop3A_126, %parallel_loop3A_162], %parallel_loop3A_160 : memref<512x48xf32, #tpu.memory_space<vmem>>[vector<16xi32>, vector<16xi32>], vector<16xf32>,
      %parallel_loop3A_163 = arith.constant 6 : i32
      %parallel_loop3A_164 = vector.broadcast %parallel_loop3A_163 : i32 to vector<16xi32>
      %parallel_loop3A_165 = arith.addi %parallel_loop3A_122, %parallel_loop3A_164 : vector<16xi32>
      %parallel_loop3A_166 = tpu.vector_load_idx %arg11[%parallel_loop3A_165] : memref<480xf32, #tpu.memory_space<vmem>>[vector<16xi32>], vector<16xf32>,
      %parallel_loop3A_167 = arith.constant 38 : i32
      %parallel_loop3A_168 = vector.broadcast %parallel_loop3A_167 : i32 to vector<16xi32>
      tpu.vector_store_idx %arg10[%parallel_loop3A_126, %parallel_loop3A_168], %parallel_loop3A_166 : memref<512x48xf32, #tpu.memory_space<vmem>>[vector<16xi32>, vector<16xi32>], vector<16xf32>,
      %parallel_loop3A_169 = arith.constant 7 : i32
      %parallel_loop3A_170 = vector.broadcast %parallel_loop3A_169 : i32 to vector<16xi32>
      %parallel_loop3A_171 = arith.addi %parallel_loop3A_122, %parallel_loop3A_170 : vector<16xi32>
      %parallel_loop3A_172 = tpu.vector_load_idx %arg11[%parallel_loop3A_171] : memref<480xf32, #tpu.memory_space<vmem>>[vector<16xi32>], vector<16xf32>,
      %parallel_loop3A_173 = arith.constant 39 : i32
      %parallel_loop3A_174 = vector.broadcast %parallel_loop3A_173 : i32 to vector<16xi32>
      tpu.vector_store_idx %arg10[%parallel_loop3A_126, %parallel_loop3A_174], %parallel_loop3A_172 : memref<512x48xf32, #tpu.memory_space<vmem>>[vector<16xi32>, vector<16xi32>], vector<16xf32>,
      %parallel_loop3A_175 = arith.constant 8 : i32
      %parallel_loop3A_176 = vector.broadcast %parallel_loop3A_175 : i32 to vector<16xi32>
      %parallel_loop3A_177 = arith.addi %parallel_loop3A_122, %parallel_loop3A_176 : vector<16xi32>
      %parallel_loop3A_178 = tpu.vector_load_idx %arg11[%parallel_loop3A_177] : memref<480xf32, #tpu.memory_space<vmem>>[vector<16xi32>], vector<16xf32>,
      %parallel_loop3A_179 = arith.constant 40 : i32
      %parallel_loop3A_180 = vector.broadcast %parallel_loop3A_179 : i32 to vector<16xi32>
      tpu.vector_store_idx %arg10[%parallel_loop3A_126, %parallel_loop3A_180], %parallel_loop3A_178 : memref<512x48xf32, #tpu.memory_space<vmem>>[vector<16xi32>, vector<16xi32>], vector<16xf32>,
      %parallel_loop3A_181 = arith.constant 9 : i32
      %parallel_loop3A_182 = vector.broadcast %parallel_loop3A_181 : i32 to vector<16xi32>
      %parallel_loop3A_183 = arith.addi %parallel_loop3A_122, %parallel_loop3A_182 : vector<16xi32>
      %parallel_loop3A_184 = tpu.vector_load_idx %arg11[%parallel_loop3A_183] : memref<480xf32, #tpu.memory_space<vmem>>[vector<16xi32>], vector<16xf32>,
      %parallel_loop3A_185 = arith.constant 41 : i32
      %parallel_loop3A_186 = vector.broadcast %parallel_loop3A_185 : i32 to vector<16xi32>
      tpu.vector_store_idx %arg10[%parallel_loop3A_126, %parallel_loop3A_186], %parallel_loop3A_184 : memref<512x48xf32, #tpu.memory_space<vmem>>[vector<16xi32>, vector<16xi32>], vector<16xf32>,
      %parallel_loop3A_187 = arith.constant 10 : i32
      %parallel_loop3A_188 = vector.broadcast %parallel_loop3A_187 : i32 to vector<16xi32>
      %parallel_loop3A_189 = arith.addi %parallel_loop3A_122, %parallel_loop3A_188 : vector<16xi32>
      %parallel_loop3A_190 = tpu.vector_load_idx %arg11[%parallel_loop3A_189] : memref<480xf32, #tpu.memory_space<vmem>>[vector<16xi32>], vector<16xf32>,
      %parallel_loop3A_191 = arith.constant 42 : i32
      %parallel_loop3A_192 = vector.broadcast %parallel_loop3A_191 : i32 to vector<16xi32>
      tpu.vector_store_idx %arg10[%parallel_loop3A_126, %parallel_loop3A_192], %parallel_loop3A_190 : memref<512x48xf32, #tpu.memory_space<vmem>>[vector<16xi32>, vector<16xi32>], vector<16xf32>,
      %parallel_loop3A_193 = arith.constant 11 : i32
      %parallel_loop3A_194 = vector.broadcast %parallel_loop3A_193 : i32 to vector<16xi32>
      %parallel_loop3A_195 = arith.addi %parallel_loop3A_122, %parallel_loop3A_194 : vector<16xi32>
      %parallel_loop3A_196 = tpu.vector_load_idx %arg11[%parallel_loop3A_195] : memref<480xf32, #tpu.memory_space<vmem>>[vector<16xi32>], vector<16xf32>,
      %parallel_loop3A_197 = arith.constant 43 : i32
      %parallel_loop3A_198 = vector.broadcast %parallel_loop3A_197 : i32 to vector<16xi32>
      tpu.vector_store_idx %arg10[%parallel_loop3A_126, %parallel_loop3A_198], %parallel_loop3A_196 : memref<512x48xf32, #tpu.memory_space<vmem>>[vector<16xi32>, vector<16xi32>], vector<16xf32>,
      %parallel_loop3A_199 = arith.constant 12 : i32
      %parallel_loop3A_200 = vector.broadcast %parallel_loop3A_199 : i32 to vector<16xi32>
      %parallel_loop3A_201 = arith.addi %parallel_loop3A_122, %parallel_loop3A_200 : vector<16xi32>
      %parallel_loop3A_202 = tpu.vector_load_idx %arg11[%parallel_loop3A_201] : memref<480xf32, #tpu.memory_space<vmem>>[vector<16xi32>], vector<16xf32>,
      %parallel_loop3A_203 = arith.constant 44 : i32
      %parallel_loop3A_204 = vector.broadcast %parallel_loop3A_203 : i32 to vector<16xi32>
      tpu.vector_store_idx %arg10[%parallel_loop3A_126, %parallel_loop3A_204], %parallel_loop3A_202 : memref<512x48xf32, #tpu.memory_space<vmem>>[vector<16xi32>, vector<16xi32>], vector<16xf32>,
      %parallel_loop3A_205 = arith.constant 13 : i32
      %parallel_loop3A_206 = vector.broadcast %parallel_loop3A_205 : i32 to vector<16xi32>
      %parallel_loop3A_207 = arith.addi %parallel_loop3A_122, %parallel_loop3A_206 : vector<16xi32>
      %parallel_loop3A_208 = tpu.vector_load_idx %arg11[%parallel_loop3A_207] : memref<480xf32, #tpu.memory_space<vmem>>[vector<16xi32>], vector<16xf32>,
      %parallel_loop3A_209 = arith.constant 45 : i32
      %parallel_loop3A_210 = vector.broadcast %parallel_loop3A_209 : i32 to vector<16xi32>
      tpu.vector_store_idx %arg10[%parallel_loop3A_126, %parallel_loop3A_210], %parallel_loop3A_208 : memref<512x48xf32, #tpu.memory_space<vmem>>[vector<16xi32>, vector<16xi32>], vector<16xf32>,
      %parallel_loop3A_211 = arith.constant 14 : i32
      %parallel_loop3A_212 = vector.broadcast %parallel_loop3A_211 : i32 to vector<16xi32>
      %parallel_loop3A_213 = arith.addi %parallel_loop3A_122, %parallel_loop3A_212 : vector<16xi32>
      %parallel_loop3A_214 = tpu.vector_load_idx %arg11[%parallel_loop3A_213] : memref<480xf32, #tpu.memory_space<vmem>>[vector<16xi32>], vector<16xf32>,
      %parallel_loop3A_215 = arith.constant 46 : i32
      %parallel_loop3A_216 = vector.broadcast %parallel_loop3A_215 : i32 to vector<16xi32>
      tpu.vector_store_idx %arg10[%parallel_loop3A_126, %parallel_loop3A_216], %parallel_loop3A_214 : memref<512x48xf32, #tpu.memory_space<vmem>>[vector<16xi32>, vector<16xi32>], vector<16xf32>,
      %parallel_loop3A_217 = arith.constant 15 : i32
      %parallel_loop3A_218 = vector.broadcast %parallel_loop3A_217 : i32 to vector<16xi32>
      %parallel_loop3A_219 = arith.addi %parallel_loop3A_122, %parallel_loop3A_218 : vector<16xi32>
      %parallel_loop3A_220 = tpu.vector_load_idx %arg11[%parallel_loop3A_219] : memref<480xf32, #tpu.memory_space<vmem>>[vector<16xi32>], vector<16xf32>,
      %parallel_loop3A_221 = arith.constant 47 : i32
      %parallel_loop3A_222 = vector.broadcast %parallel_loop3A_221 : i32 to vector<16xi32>
      tpu.vector_store_idx %arg10[%parallel_loop3A_126, %parallel_loop3A_222], %parallel_loop3A_220 : memref<512x48xf32, #tpu.memory_space<vmem>>[vector<16xi32>, vector<16xi32>], vector<16xf32>,
    } {sc.loop_unroll_factor = 2 : i64, sc.parallel_access}
    %dma_start3A_47 = arith.constant 0 : i32
    %dma_start3A_48 = arith.constant 32 : i32
    %dma_start3A_49 = tpu.memref_slice %arg10[%dma_start3A_47, %dma_start3A_48] : memref<512x48xf32, #tpu.memory_space<vmem>> -> memref<512x16xf32, #tpu.memory_space<vmem>>
    %dma_start3A_50 = arith.constant 96 : i32
    %dma_start3A_51 = tpu.memref_slice %arg6[%mul3A_2, %dma_start3A_50] : memref<16384x128xf32, #tpu.memory_space<hbm>> -> memref<512x16xf32, #tpu.memory_space<hbm>>
    %dma_start3A_52 = arith.constant 96 : i32
    %dma_start3A_53 = tpu.memref_slice %arg6[%mul3A_2, %dma_start3A_52] : memref<16384x128xf32, #tpu.memory_space<hbm>> -> memref<512x16xf32, #tpu.memory_space<hbm>>
    %dma_start3A_54 = arith.constant 0 : i32
    %dma_start3A_55 = arith.constant 32 : i32
    %dma_start3A_56 = tpu.memref_slice %arg10[%dma_start3A_54, %dma_start3A_55] : memref<512x48xf32, #tpu.memory_space<vmem>> -> memref<512x16xf32, #tpu.memory_space<vmem>>
    tpu.enqueue_dma source(%dma_start3A_56 : memref<512x16xf32, #tpu.memory_space<vmem>>) target(%dma_start3A_53 : memref<512x16xf32, #tpu.memory_space<hbm>>) target_semaphore(%arg15 : memref<!tpu.dma_semaphore, #tpu.memory_space<semaphore_mem>>)
    %dma_wait3A_57 = arith.constant 2048 : i32
    %dma_wait3A_58 = tpu.memref_slice %arg7[%dma_wait3A_57] : memref<2560xi32, #tpu.memory_space<vmem>> -> memref<512xi32, #tpu.memory_space<vmem>>
    %dma_wait3A_59 = arith.constant 0 : i32
    %dma_wait3A_60 = arith.constant 0 : i32
    %dma_wait3A_61 = tpu.memref_slice %arg5[%dma_wait3A_59, %dma_wait3A_60] : memref<3439x16xf32, #tpu.memory_space<hbm>> -> memref<3439x16xf32, #tpu.memory_space<hbm>>
    tpu.wait_indirect_dma semaphore(%arg13 : memref<!tpu.dma_semaphore, #tpu.memory_space<semaphore_mem>>) src(%dma_wait3A_61 : memref<3439x16xf32, #tpu.memory_space<hbm>>) dst(%arg9 : memref<512x16xf32, #tpu.memory_space<vmem>>)
    %dma_start3A_62 = arith.constant 112 : i32
    %dma_start3A_63 = tpu.memref_slice %arg6[%mul3A_2, %dma_start3A_62] : memref<16384x128xf32, #tpu.memory_space<hbm>> -> memref<512x16xf32, #tpu.memory_space<hbm>>
    %dma_start3A_64 = arith.constant 112 : i32
    %dma_start3A_65 = tpu.memref_slice %arg6[%mul3A_2, %dma_start3A_64] : memref<16384x128xf32, #tpu.memory_space<hbm>> -> memref<512x16xf32, #tpu.memory_space<hbm>>
    tpu.enqueue_dma source(%arg9 : memref<512x16xf32, #tpu.memory_space<vmem>>) target(%dma_start3A_65 : memref<512x16xf32, #tpu.memory_space<hbm>>) target_semaphore(%arg15 : memref<!tpu.dma_semaphore, #tpu.memory_space<semaphore_mem>>)
    %dma_wait3A_66 = arith.constant 0 : i32
    %dma_wait3A_67 = tpu.memref_slice %arg7[%dma_wait3A_66] : memref<2560xi32, #tpu.memory_space<vmem>> -> memref<512xi32, #tpu.memory_space<vmem>>
    %dma_wait3A_68 = arith.constant 0 : i32
    %dma_wait3A_69 = arith.constant 0 : i32
    %dma_wait3A_70 = tpu.memref_slice %arg3[%dma_wait3A_68, %dma_wait3A_69] : memref<6041x64xf32, #tpu.memory_space<hbm>> -> memref<6041x64xf32, #tpu.memory_space<hbm>>
    tpu.wait_indirect_dma semaphore(%arg12 : memref<!tpu.dma_semaphore, #tpu.memory_space<semaphore_mem>>) src(%dma_wait3A_70 : memref<6041x64xf32, #tpu.memory_space<hbm>>) dst(%arg8 : memref<512x64xf32, #tpu.memory_space<vmem>>)
    %dma_start3A_71 = arith.constant 0 : i32
    %dma_start3A_72 = tpu.memref_slice %arg6[%mul3A_2, %dma_start3A_71] : memref<16384x128xf32, #tpu.memory_space<hbm>> -> memref<512x64xf32, #tpu.memory_space<hbm>>
    %dma_start3A_73 = arith.constant 0 : i32
    %dma_start3A_74 = tpu.memref_slice %arg6[%mul3A_2, %dma_start3A_73] : memref<16384x128xf32, #tpu.memory_space<hbm>> -> memref<512x64xf32, #tpu.memory_space<hbm>>
    tpu.enqueue_dma source(%arg8 : memref<512x64xf32, #tpu.memory_space<vmem>>) target(%dma_start3A_74 : memref<512x64xf32, #tpu.memory_space<hbm>>) target_semaphore(%arg15 : memref<!tpu.dma_semaphore, #tpu.memory_space<semaphore_mem>>)
    %dma_wait3A_75 = arith.constant 0 : i32
    %dma_wait3A_76 = arith.constant 0 : i32
    %dma_wait3A_77 = tpu.memref_slice %arg10[%dma_wait3A_75, %dma_wait3A_76] : memref<512x48xf32, #tpu.memory_space<vmem>> -> memref<512x16xf32, #tpu.memory_space<vmem>>
    %dma_wait3A_78 = arith.constant 64 : i32
    %dma_wait3A_79 = tpu.memref_slice %arg6[%mul3A_2, %dma_wait3A_78] : memref<16384x128xf32, #tpu.memory_space<hbm>> -> memref<512x16xf32, #tpu.memory_space<hbm>>
    %dma_wait3A_80 = arith.constant 64 : i32
    %dma_wait3A_81 = tpu.memref_slice %arg6[%mul3A_2, %dma_wait3A_80] : memref<16384x128xf32, #tpu.memory_space<hbm>> -> memref<512x16xf32, #tpu.memory_space<hbm>>
    %dma_wait3A_82 = arith.constant 0 : i32
    %dma_wait3A_83 = arith.constant 0 : i32
    %dma_wait3A_84 = tpu.memref_slice %arg10[%dma_wait3A_82, %dma_wait3A_83] : memref<512x48xf32, #tpu.memory_space<vmem>> -> memref<512x16xf32, #tpu.memory_space<vmem>>
    tpu.wait_dma2 semaphore(%arg15 : memref<!tpu.dma_semaphore, #tpu.memory_space<semaphore_mem>>) src(%dma_wait3A_84 : memref<512x16xf32, #tpu.memory_space<vmem>>) dst(%dma_wait3A_81 : memref<512x16xf32, #tpu.memory_space<hbm>>)
    %dma_wait3A_85 = arith.constant 0 : i32
    %dma_wait3A_86 = arith.constant 16 : i32
    %dma_wait3A_87 = tpu.memref_slice %arg10[%dma_wait3A_85, %dma_wait3A_86] : memref<512x48xf32, #tpu.memory_space<vmem>> -> memref<512x16xf32, #tpu.memory_space<vmem>>
    %dma_wait3A_88 = arith.constant 80 : i32
    %dma_wait3A_89 = tpu.memref_slice %arg6[%mul3A_2, %dma_wait3A_88] : memref<16384x128xf32, #tpu.memory_space<hbm>> -> memref<512x16xf32, #tpu.memory_space<hbm>>
    %dma_wait3A_90 = arith.constant 80 : i32
    %dma_wait3A_91 = tpu.memref_slice %arg6[%mul3A_2, %dma_wait3A_90] : memref<16384x128xf32, #tpu.memory_space<hbm>> -> memref<512x16xf32, #tpu.memory_space<hbm>>
    %dma_wait3A_92 = arith.constant 0 : i32
    %dma_wait3A_93 = arith.constant 16 : i32
    %dma_wait3A_94 = tpu.memref_slice %arg10[%dma_wait3A_92, %dma_wait3A_93] : memref<512x48xf32, #tpu.memory_space<vmem>> -> memref<512x16xf32, #tpu.memory_space<vmem>>
    tpu.wait_dma2 semaphore(%arg15 : memref<!tpu.dma_semaphore, #tpu.memory_space<semaphore_mem>>) src(%dma_wait3A_94 : memref<512x16xf32, #tpu.memory_space<vmem>>) dst(%dma_wait3A_91 : memref<512x16xf32, #tpu.memory_space<hbm>>)
    %dma_wait3A_95 = arith.constant 0 : i32
    %dma_wait3A_96 = arith.constant 32 : i32
    %dma_wait3A_97 = tpu.memref_slice %arg10[%dma_wait3A_95, %dma_wait3A_96] : memref<512x48xf32, #tpu.memory_space<vmem>> -> memref<512x16xf32, #tpu.memory_space<vmem>>
    %dma_wait3A_98 = arith.constant 96 : i32
    %dma_wait3A_99 = tpu.memref_slice %arg6[%mul3A_2, %dma_wait3A_98] : memref<16384x128xf32, #tpu.memory_space<hbm>> -> memref<512x16xf32, #tpu.memory_space<hbm>>
    %dma_wait3A_100 = arith.constant 96 : i32
    %dma_wait3A_101 = tpu.memref_slice %arg6[%mul3A_2, %dma_wait3A_100] : memref<16384x128xf32, #tpu.memory_space<hbm>> -> memref<512x16xf32, #tpu.memory_space<hbm>>
    %dma_wait3A_102 = arith.constant 0 : i32
    %dma_wait3A_103 = arith.constant 32 : i32
    %dma_wait3A_104 = tpu.memref_slice %arg10[%dma_wait3A_102, %dma_wait3A_103] : memref<512x48xf32, #tpu.memory_space<vmem>> -> memref<512x16xf32, #tpu.memory_space<vmem>>
    tpu.wait_dma2 semaphore(%arg15 : memref<!tpu.dma_semaphore, #tpu.memory_space<semaphore_mem>>) src(%dma_wait3A_104 : memref<512x16xf32, #tpu.memory_space<vmem>>) dst(%dma_wait3A_101 : memref<512x16xf32, #tpu.memory_space<hbm>>)
    %dma_wait3A_105 = arith.constant 112 : i32
    %dma_wait3A_106 = tpu.memref_slice %arg6[%mul3A_2, %dma_wait3A_105] : memref<16384x128xf32, #tpu.memory_space<hbm>> -> memref<512x16xf32, #tpu.memory_space<hbm>>
    %dma_wait3A_107 = arith.constant 112 : i32
    %dma_wait3A_108 = tpu.memref_slice %arg6[%mul3A_2, %dma_wait3A_107] : memref<16384x128xf32, #tpu.memory_space<hbm>> -> memref<512x16xf32, #tpu.memory_space<hbm>>
    tpu.wait_dma2 semaphore(%arg15 : memref<!tpu.dma_semaphore, #tpu.memory_space<semaphore_mem>>) src(%arg9 : memref<512x16xf32, #tpu.memory_space<vmem>>) dst(%dma_wait3A_108 : memref<512x16xf32, #tpu.memory_space<hbm>>)
    %dma_wait3A_109 = arith.constant 0 : i32
    %dma_wait3A_110 = tpu.memref_slice %arg6[%mul3A_2, %dma_wait3A_109] : memref<16384x128xf32, #tpu.memory_space<hbm>> -> memref<512x64xf32, #tpu.memory_space<hbm>>
    %dma_wait3A_111 = arith.constant 0 : i32
    %dma_wait3A_112 = tpu.memref_slice %arg6[%mul3A_2, %dma_wait3A_111] : memref<16384x128xf32, #tpu.memory_space<hbm>> -> memref<512x64xf32, #tpu.memory_space<hbm>>
    tpu.wait_dma2 semaphore(%arg15 : memref<!tpu.dma_semaphore, #tpu.memory_space<semaphore_mem>>) src(%arg8 : memref<512x64xf32, #tpu.memory_space<vmem>>) dst(%dma_wait3A_112 : memref<512x64xf32, #tpu.memory_space<hbm>>)
    return
  }
}

</mosaic_0001>

<sc_bundles>
// kernel: kernel.3.cloned.1.call-start
scs
__scs_entry_jumppad:
0x0: {  	(pc) =	sbr.rel $0x88, $3  }
0x1: {  	(tag) =	ssettag $0x0;
	lr =	simm.s32 $0x1  }
0x2: {  	[smem:$0x3F9B] =	sst lr;
	_ =	strace $0xD0000000  }
0x3: {  	_ = 	snop  }
0x4: {  	_ = 	snop  }
0x5: {  	_ = 	snop  }
0x6: {  	_ = 	snop  }
0x7: {  	_ = 	snop  }
__scs_overlays_trampoline_lowered:
0x8: {  	[smem:$0x3FAA] =	sst s0  }
0x9: {  	[smem:$0x3FAB] =	sst s1  }
0xa: {  	[smem:$0x3FAC] =	sst s2  }
0xb: {  	[smem:$0x3FAD] =	sst s3  }
0xc: {  	[smem:$0x3FAE] =	sst s4  }
0xd: {  	[smem:$0x3FAF] =	sst s5  }
0xe: {  	[smem:$0x3FB0] =	sst s6  }
0xf: {  	[smem:$0x3FB1] =	sst s7  }
0x10: {  	[smem:$0x3FB2] =	sst s8  }
0x11: {  	[smem:$0x3FB3] =	sst s9;
	s0 =	simm.s32 @!p0 $0x0  }
0x12: {  	s1 =	sld [smem:$0x3F99];
	s0 =	simm.s32 @p0 $0x1  }
0x13: {  	[smem:$0x3FB4] =	sst s0;
	s0 =	simm.s32 @!p1 $0x0  }
0x14: {  	s2 =	sld [smem:$0x3F98];
	s0 =	simm.s32 @p1 $0x1  }
0x15: {  	[smem:$0x3FB5] =	sst s0;
	s0 =	simm.s32 @!p2 $0x0  }
0x16: {  	s3 =	sld [smem:$0x3FDB];
	s0 =	simm.s32 @p2 $0x1  }
0x17: {  	s4 =	simm.s32 $0x1BF5;
	[smem:$0x3FB7] =	sst s0  }
0x18: {  	s0 =	sld [smem:$0x3F9A];
	_ =	swait.ge [sflag:s4], $0x0  }
0x19: {  	s7 =	sld [smem:$0x3F9B]  }
0x1a: {  	s8 =	sadd.s32 $0xFFFFE003, lr  }
0x1b: {  	s9 =	sadd.s32 $0xFFFFFEF7, lr;
	s5 =	simm.s32 $0xFFFFFFFF;
	p2 =	slt.u32 s8, $0xFFFFF086  }
0x1c: {  	p1 =	slt.u32 s9, $0xF7A;
	s5 =	simm.s32 @!p2 $0x0  }
0x1d: {  	s5 =	simm.s32 @p1 $0x1;
	p0 =	seq.s32 s7, s2  }
0x1e: {  	s7 =	smul.u32 @!p0 $0xF7A, s2;
	p2 =	seq.s32 @!p0 s5, $0x0  }
0x1f: {  	s9 =	smul.u32 $0xF7A, s1;
	s8 =	simm.s32 @!p0 $0x1BF5;
	p2 =	por !p2, p0  }
0x20: {  	[sflag:s8] =	ssyncset.s32 @!p0 $0xFFFFF086;
	s6 =	sadd.s32 @!p0 s3, s7;
	s7 =	simm.s32 @!p0 $0x108  }
0x21: {  	s3 =	sadd.s32 s3, s9;
	s6 =	sadd.s32 @!p0 $0x88, s6;
	s7 =	simm.s32 @p2 $0x1082  }
0x22: {  	[simem:s7], [sflag:s8] =	dma.local @!p0 [hbm:s6], $0xF7A  }
0x23: {  	s9 =	sor.u32 $0xD0000000, s2;
	s6 =	simm.s32 $0x108;
	_ =	swait.ge @!p0 [sflag:s8], $0x0  }
0x24: {  	s3 =	sadd.s32 $0x88, s3;
	s6 =	simm.s32 @!p1 $0x1082;
	[sflag:s4] =	ssyncset.s32 $0xFFFFF086  }
0x25: {  	[simem:s6], [sflag:s4] =	dma.local [hbm:s3], $0xF7A  }
0x26: {  	[smem:$0x3F9B] =	sst s1;
	(tag) =	ssettag s2;
	_ =	strace s9  }
0x27: {  	s1 =	sld [smem:$0x3FAB]  }
0x28: {  	s2 =	sld [smem:$0x3FAC]  }
0x29: {  	s4 =	sld [smem:$0x3FAE]  }
0x2a: {  	p0 =	seq.s32 s5, $0x0;
	s5 =	sld [smem:$0x3FAF]  }
0x2b: {  	s6 =	sld [smem:$0x3FB0]  }
0x2c: {  	s7 =	sld [smem:$0x3FB1]  }
0x2d: {  	s3 =	simm.s32 $0x108;
	s8 =	sld [smem:$0x3FB2]  }
0x2e: {  	s3 =	simm.s32 @!p0 $0x1082;
	s9 =	sld [smem:$0x3FB3]  }
0x2f: {  	lr =	sadd.s32 s0, s3;
	s0 =	sld [smem:$0x3FAA]  }
0x30: {  	s3 =	sld [smem:$0x3FAD]  }
0x31: {  	[smem:$0x3FB6] =	sst s10  }
0x32: {  	s10 =	sld [smem:$0x3FB4];
	_ =	sdelay $0x3  }
0x33: {  	p0 =	seq.s32 s10, $0x1;
	s10 =	sld [smem:$0x3FB6];
	_ =	sdelay $0x3  }
0x34: {  	[smem:$0x3FB6] =	sst s10  }
0x35: {  	s10 =	sld [smem:$0x3FB5];
	_ =	sdelay $0x3  }
0x36: {  	p1 =	seq.s32 s10, $0x1;
	s10 =	sld [smem:$0x3FB6];
	_ =	sdelay $0x3  }
0x37: {  	[smem:$0x3FB6] =	sst s10  }
0x38: {  	s10 =	sld [smem:$0x3FB7]  }
0x39: {  	_ = 	snop;
	(pc) =	sbr.ind lr, $3  }
0x3a: {  	_ = 	snop  }
0x3b: {  	_ = 	snop  }
0x3c: {  	p2 =	seq.s32 s10, $0x1;
	s10 =	sld [smem:$0x3FB6]  }
0x3d: {  	_ =	shalt  }
0x3e: {  	_ =	shalt  }
0x3f: {  	_ =	shalt  }
0x40: {  	_ =	shalt  }
0x41: {  	_ =	shalt  }
0x42: {  	_ =	shalt  }
0x43: {  	_ =	shalt  }
0x44: {  	_ =	shalt  }
0x45: {  	_ =	shalt  }
0x46: {  	_ =	shalt  }
0x47: {  	_ =	shalt  }
0x48: {  	_ =	shalt  }
0x49: {  	_ =	shalt  }
0x4a: {  	_ =	shalt  }
0x4b: {  	_ =	shalt  }
0x4c: {  	_ =	shalt  }
0x4d: {  	_ =	shalt  }
0x4e: {  	_ =	shalt  }
0x4f: {  	_ =	shalt  }
0x50: {  	_ =	shalt  }
0x51: {  	_ =	shalt  }
0x52: {  	_ =	shalt  }
0x53: {  	_ =	shalt  }
0x54: {  	_ =	shalt  }
0x55: {  	_ =	shalt  }
0x56: {  	_ =	shalt  }
0x57: {  	_ =	shalt  }
0x58: {  	_ =	shalt  }
0x59: {  	_ =	shalt  }
0x5a: {  	_ =	shalt  }
0x5b: {  	_ =	shalt  }
0x5c: {  	_ =	shalt  }
0x5d: {  	_ =	shalt  }
0x5e: {  	_ =	shalt  }
0x5f: {  	_ =	shalt  }
0x60: {  	_ =	shalt  }
0x61: {  	_ =	shalt  }
0x62: {  	_ =	shalt  }
0x63: {  	_ =	shalt  }
0x64: {  	_ =	shalt  }
0x65: {  	_ =	shalt  }
0x66: {  	_ =	shalt  }
0x67: {  	_ =	shalt  }
0x68: {  	_ =	shalt  }
0x69: {  	_ =	shalt  }
0x6a: {  	_ =	shalt  }
0x6b: {  	_ =	shalt  }
0x6c: {  	_ =	shalt  }
0x6d: {  	_ =	shalt  }
0x6e: {  	_ =	shalt  }
0x6f: {  	_ =	shalt  }
0x70: {  	_ =	shalt  }
0x71: {  	_ =	shalt  }
0x72: {  	_ =	shalt  }
0x73: {  	_ =	shalt  }
0x74: {  	_ =	shalt  }
0x75: {  	_ =	shalt  }
0x76: {  	_ =	shalt  }
0x77: {  	_ =	shalt  }
0x78: {  	_ =	shalt  }
0x79: {  	_ =	shalt  }
0x7a: {  	_ =	shalt  }
0x7b: {  	_ =	shalt  }
0x7c: {  	_ =	shalt  }
0x7d: {  	_ =	shalt  }
0x7e: {  	_ =	shalt  }
0x7f: {  	_ =	shalt  }
0x80: {  	_ =	shalt  }
0x81: {  	_ =	shalt  }
0x82: {  	_ =	shalt  }
0x83: {  	_ =	shalt  }
0x84: {  	_ =	shalt  }
0x85: {  	_ =	shalt  }
0x86: {  	_ =	shalt  }
0x87: {  	_ =	shalt  }
.Lfunc_end0:
.L_simem_size_0:
called_computation_lowered:
.L_overlay_start_0:
0x88: {  	s2 =	sld [smem:$0x3FD9]  }
0x89: {  	s3 =	sld [smem:$0x3FFE];
	_ =	sdelay $0x1  }
0x8a: {  	s1 =	srdreg.scid  }
0x8b: {  	s0 =	sand.u32 $0x1, s1  }
0x8c: {  	s17 =	sshll.u32 s0, $0xA;
	s2 =	sadd.s32 s3, s2  }
0x8d: {  	s2 =	sadd.s32 s2, s17  }
0x8e: {  	[smem:$0x3FC2] =	sst s2  }
0x8f: {  	_ = 	snop  }
0x90: {  	s2 =	sld [smem:$0x3FD0];
	(tm) =	ssettm $0x1  }
0x91: {  	s18 =	sld [smem:$0x3FFB];
	_ =	sdelay $0x3  }
0x92: {  	_ =	strace s18  }
0x93: {  	s3 =	sld [smem:$0x3FFC];
	_ =	sdelay $0x3  }
0x94: {  	_ =	strace s3  }
0x95: {  	s3 =	sld [smem:$0x3FFD];
	_ =	sdelay $0x3  }
0x96: {  	_ =	strace s3  }
0x97: {  	_ =	strace $0x8FFFFFFF  }
0x98: {  	s19 =	sld [smem:$0x3FDB];
	_ =	sdelay $0x1  }
0x99: {  	s4 =	simm.s32 $_scs_section_size  }
0x9a: {  	s5 =	simm.s32 $_size__tile_overlayer_lowered;
	s6 =	simm.s32 $_tile_overlayer_lowered  }
0x9b: {  	s22 =	simm.s32 $0x1BFF;
	s21 =	sshll.u32 s6, $0x1;
	s3 =	sadd.s32 s4, s19  }
0x9c: {  	s7 =	simm.s32 $0x0;
	s20 =	sshll.u32 s5, $0x1;
	s5 =	sadd.s32 s21, s3  }
0x9d: {  	[timem:s7], [sflag:s22] =	dma.local [hbm:s5], s20  }
0x9e: {  	_ =	swait.ge [sflag:s22], s20  }
0x9f: {  	s4 =	ssub.s32 $0x0, s20;
	[sflag:s22] =	ssyncset.done $0x0  }
0xa0: {  	[sflag:s22] =	ssyncadd.s32 s4;
	_ =	sdelay $0x1  }
0xa1: {  	s23 =	simm.s32 $0x1B8B  }
0xa2: {  	_ =	swait.ge [sflag:s23], $0x1  }
0xa3: {  	[sflag:s23] =	ssyncset.done $0x0  }
0xa4: {  	s25 =	simm.s32 $0x1B8E;
	s24 =	sld [smem:$0x3FFE];
	[sflag:s23] =	ssyncadd.s32 $0xFFFFFFFF  }
0xa5: {  	s26 =	simm.s32 $execute0_lowered;
	[smem:$0x3FD2] =	sst s25  }
0xa6: {  	s5 =	sshll.u32 s26, $0x1;
	_ =	strace $0x80000046;
	[dreg:$0x1] =	wrdreg $0xFFFFFFFF  }
0xa7: {  	s28 =	simm.s32 $_size_execute0_lowered;
	s3 =	sadd.s32 s3, s5;
	[dreg:$0x0] =	wrdreg $0x0  }
0xa8: {  	s5 =	sshll.u32 s28, $0x1;
	[dreg:$0x2] =	wrdreg s3  }
0xa9: {  	[dreg:$0x3] =	wrdreg s5  }
0xaa: {  	[dreg:$0x4] =	wrdreg $0xC0  }
0xab: {  	_ =	task [dreg:s7], $0x5FFFF  }
0xac: {  	[dreg:$0x1] =	wrdreg $0xFFFFFFFF  }
0xad: {  	[dreg:$0x0] =	wrdreg $0x60  }
0xae: {  	[dreg:$0x2] =	wrdreg s24  }
0xaf: {  	[dreg:$0x3] =	wrdreg s2  }
0xb0: {  	[dreg:$0x4] =	wrdreg $0x9  }
0xb1: {  	_ =	task.clear_ibuf [dreg:s7], $0x5FFFF;
	_ =	strace $0x90000046  }
0xb2: {  	s29 =	simm.s32 $0x9;
	_ =	strace $0x80000048  }
0xb3: {  	_ =	swait.ge [sflag:s29], $0x1  }
0xb4: {  	[sflag:s29] =	ssyncadd.s32 $0xFFFFFFFF  }
0xb5: {  	_ =	strace $0x90000048  }
0xb6: {  	_ =	sfence  }
0xb7: {  	s30 =	sld [smem:$0x0];
	_ =	sdelay $0x2  }
0xb8: {  	s31 =	sshll.u32 s1, $0xD;
	s1 =	sshrl.u32 s1, $0x2  }
0xb9: {  	s3 =	sand.u32 $0x4000, s31;
	s1 =	sadd.s32 s1, s30  }
0xba: {  	s0 =	sor.u32 s3, s0;
	s1 =	sshll.u32 s1, $0x11  }
0xbb: {  	s0 =	sor.u32 s1, s0  }
0xbc: {  	s0 =	sadd.s32 $0x8F2B, s0  }
0xbd: {  	[sflag:s0] =	ssyncadd.remote.s32 $0x1  }
0xbe: {  	_ =	sfence.sel $0xFFFF  }
0xbf: {  	[dreg:$0x0] =	wrdreg $0xFFFFFFFF;
	(pc) =	sbr.abs _section_cstart, $3  }
0xc0: {  	[dreg:$0x1] =	wrdreg $0xFFFFFFFF  }
0xc1: {  	_ =	task.clear_ibuf [dreg:s7], $0x2FFFF;
	_ =	strace $0x9FFFFFFF  }
0xc2: {  	(tm) =	ssettm $0x7FFFFFFF  }
0xc3: {  	_ =	shalt  }
tec
execute0_lowered:
.L_overlay_start_1:
0x0: {  	(tag) =	ssettag $0x1  }
0x1: {  	v0 =	vlaneseq.u32  }
0x2: {  	v29 =	vmul.u32 $0x30, v0;
	_ =	sdelay $0x1  }
0x3: {  	v0 =	vor.u32 $0xD, v29  }
0x4: {  	v43 =	vor.u32 $0xF, v29;
	[tilespmem:$0x1FD40] =	vst v0  }
0x5: {  	s5 =	rddreg [dreg:$0x0];
	v44 =	vadd.s32 $0x10, v29;
	[tilespmem:$0x1FD50] =	vst v43  }
0x6: {  	s7 =	rddreg [dreg:$0x1];
	s2 =	simm.s32 $0x0;
	v45 =	vadd.s32 $0x11, v29;
	[tilespmem:$0x1FD60] =	vst v44  }
0x7: {  	s1 =	srdreg.scid;
	[smem:$0x7FF] =	sst s2;
	v46 =	vadd.s32 $0x12, v29;
	[tilespmem:$0x1FD70] =	vst v45  }
0x8: {  	s6 =	sand.u32 $0x1, s1;
	s1 =	rddreg [dreg:$0x2];
	v47 =	vadd.s32 $0x14, v29;
	_ =	strace $0x80000047;
	[tilespmem:$0x1FD80] =	vst v46  }
0x9: {  	v48 =	vadd.s32 $0x15, v29;
	[tilespmem:$0x1FD90] =	vst v47  }
0xa: {  	v49 =	vadd.s32 $0x16, v29;
	[tilespmem:$0x1FDA0] =	vst v48  }
0xb: {  	v50 =	vadd.s32 $0x17, v29;
	[tilespmem:$0x1FDB0] =	vst v49  }
0xc: {  	v51 =	vadd.s32 $0x18, v29;
	[tilespmem:$0x1FDC0] =	vst v50  }
0xd: {  	v52 =	vadd.s32 $0x19, v29;
	[tilespmem:$0x1FDD0] =	vst v51  }
0xe: {  	v53 =	vadd.s32 $0x1A, v29;
	[tilespmem:$0x1FDE0] =	vst v52  }
0xf: {  	v54 =	vadd.s32 $0x1C, v29;
	[tilespmem:$0x1FDF0] =	vst v53  }
0x10: {  	v55 =	vadd.s32 $0x1D, v29;
	[tilespmem:$0x1FE00] =	vst v54  }
0x11: {  	v56 =	vadd.s32 $0x1E, v29;
	[tilespmem:$0x1FE10] =	vst v55  }
0x12: {  	v57 =	vadd.s32 $0x1F, v29;
	[tilespmem:$0x1FE20] =	vst v56  }
0x13: {  	v58 =	vadd.s32 $0x23, v29;
	[tilespmem:$0x1FE30] =	vst v57  }
0x14: {  	v59 =	vadd.s32 $0x24, v29;
	[tilespmem:$0x1FE40] =	vst v58  }
0x15: {  	v60 =	vadd.s32 $0x25, v29;
	[tilespmem:$0x1FE50] =	vst v59  }
0x16: {  	v61 =	vadd.s32 $0x26, v29;
	[tilespmem:$0x1FE60] =	vst v60  }
0x17: {  	v62 =	vadd.s32 $0x28, v29;
	[tilespmem:$0x1FE70] =	vst v61  }
0x18: {  	v63 =	vadd.s32 $0x29, v29;
	[tilespmem:$0x1FE80] =	vst v62  }
0x19: {  	v22 =	vor.u32 $0x2, v29;
	[tilespmem:$0x1FE90] =	vst v63  }
0x1a: {  	v23 =	vor.u32 $0x7, v29;
	[tilespmem:$0x1FEA0] =	vst v22  }
0x1b: {  	v40 =	vor.u32 $0x9, v29;
	[tilespmem:$0x1FEB0] =	vst v23  }
0x1c: {  	v41 =	vor.u32 $0xA, v29;
	[tilespmem:$0x1FEC0] =	vst v40  }
0x1d: {  	v42 =	vor.u32 $0xB, v29;
	[tilespmem:$0x1FED0] =	vst v41  }
0x1e: {  	v1 =	vadd.s32 $0x13, v29;
	[tilespmem:$0x1FEE0] =	vst v42  }
0x1f: {  	v2 =	vadd.s32 $0x1B, v29;
	[tilespmem:$0x1FEF0] =	vst v1  }
0x20: {  	v34 =	vor.u32 $0xC, v29;
	[tilespmem:$0x1FF00] =	vst v2  }
0x21: {  	v33 =	vadd.s32 $0x20, v29;
	[tilespmem:$0x1FF10] =	vst v34  }
0x22: {  	v38 =	vadd.s32 $0x21, v29;
	[tilespmem:$0x1FF20] =	vst v33  }
0x23: {  	v39 =	vadd.s32 $0x22, v29;
	[tilespmem:$0x1FF30] =	vst v38  }
0x24: {  	v25 =	vadd.s32 $0x27, v29;
	[tilespmem:$0x1FF40] =	vst v39  }
0x25: {  	s0 =	stileid.u32;
	s13 =	simm.s32 $0x10A00;
	s14 =	simm.s32 $0x3;
	v44 =	vadd.s32 $0x2A, v29;
	[tilespmem:$0x1FF50] =	vst v25  }
0x26: {  	s15 =	simm.s32 $0x200;
	s16 =	simm.s32 $0xA00;
	s17 =	simm.s32 $0x800;
	v37 =	vadd.s32 $0x2B, v29;
	[tilespmem:$0x1FF60] =	vst v44  }
0x27: {  	s18 =	simm.s32 $0x8A00;
	s19 =	simm.s32 $0x4;
	s20 =	simm.s32 $0xAA00;
	v43 =	vadd.s32 $0x2C, v29;
	[tilespmem:$0x1FF70] =	vst v37  }
0x28: {  	s21 =	simm.s32 $0x2;
	s22 =	simm.s32 $0x10;
	s23 =	simm.s32 $0x80;
	v45 =	vadd.s32 $0x2D, v29;
	[tilespmem:$0x1FF80] =	vst v43  }
0x29: {  	s24 =	simm.s32 $0x1;
	s25 =	simm.s32 $0x40;
	s29 =	sshll.u32 s0, $0x1;
	v24 =	vor.u32 $0x6, v29;
	[tilespmem:$0x1FF90] =	vst v45  }
0x2a: {  	s26 =	simm.s32 $0x0;
	s8 =	sor.u32 s6, s29;
	s10 =	ssub.s32 $0x2, s6;
	v31 =	vor.u32 $0x8, v29;
	[tilespmem:$0x1FFC0] =	vst v24  }
0x2b: {  	s3 =	smul.u32 $0x140, s8;
	v32 =	vor.u32 $0xE, v29;
	s30 =	sshll.u32 s8, $0xD;
	s31 =	sshrl.u32 s10, $0x1;
	[tilespmem:$0x1FFD0] =	vst v31  }
0x2c: {  	s4 =	sadd.s32 $0x800, s5;
	v26 =	vor.u32 $0x1, v29;
	s6 =	sadd.s32 s7, s30;
	s12 =	ssub.s32 s10, s31;
	[tilespmem:$0x1FFE0] =	vst v32  }
0x2d: {  	s9 =	sadd.s32 s3, s5;
	s3 =	sadd.s32 $0x4E00, s5;
	s5 =	sadd.s32 $0x3200, s5;
	v46 =	vadd.s32 $0x2E, v29;
	[tilespmem:$0x1FFF0] =	vst v26  }
0x2e: {  	s8 =	sadd.s32 $0x8, s6;
	s10 =	sadd.s32 $0xC, s6;
	s11 =	sadd.s32 $0xE, s6;
	v47 =	vadd.s32 $0x2F, v29;
	[tilespmem:$0x1FFA0] =	vst v46  }
0x2f: {  	v28 =	vor.u32 $0x3, v29;
	v27 =	vor.u32 $0x4, v29;
	v30 =	vor.u32 $0x5, v29;
	s12 =	smax.u32 s12, $0x1;
	s7 =	sadd.s32 $0xA00, s9;
	s9 =	sadd.s32 $0xA, s6;
	[tilespmem:$0x1FFB0] =	vst v47  }
.LBB2_1:
0x30: {  	[tilespmem:s2], [sflag:$0x3] =	stream.linear.gather [hbm4b:s7+s2], $0xA00, $0x38;
	[tilespmem:$0x10BE0] =	vst v63  }
0x31: {  	_ = 	snop  }
0x32: {  	[tilespmem:s13], [sflag:$0x4] =	stream.linear.gather [hbm4b:s4+s2], $0x1E0, $0x38;
	[tilespmem:$0x10BE0] =	vst v63  }
0x33: {  	_ =	swait.ge [sflag:s14], $0xA00  }
0x34: {  	[sflag:s14] =	ssyncset.done $0x0  }
0x35: {  	[sflag:s14] =	ssyncadd.s32 $0xFFFFF600  }
0x36: {  	[tilespmem:s16], [sflag:$0x1] =	stream.indirect.gather [hbm4b:s3+s15], $0x40, s2, s15, $0xb8;
	[tilespmem:$0x10BE0] =	vst v63  }
0x37: {  	_ = 	snop  }
0x38: {  	[tilespmem:s18], [sflag:$0x2] =	stream.indirect.gather [hbm4b:s5+s15], $0x10, s17, s15, $0xb8;
	[tilespmem:$0x10BE0] =	vst v63  }
0x39: {  	_ =	swait.ge [sflag:s19], $0x1E0  }
0x3a: {  	[sflag:s19] =	ssyncset.done $0x0  }
0x3b: {  	s28 =	simm.s32 $0x210;
	[sflag:s19] =	ssyncadd.s32 $0xFFFFFE20  }
0x3c: {  	v0 =	vld [tilespmem:s28+$0x0];
	_ =	sdelay $0x2  }
0x3d: {  	v1 =	vld [tilespmem:s28+$0xFFFFFFF0];
	_ =	sdelay $0x1  }
0x3e: {  	v56 =	vshll.u32 v0, $0x4;
	v0 =	vmov s22  }
0x3f: {  	v0 =	vmul.u32 $0x30, v0  }
0x40: {  	s28 =	simm.s32 $0x0  }
0x41: {  	v57 =	vshll.u32 v1, $0x4;
	v59 =	vbroadcast v0, $0x0;
	v0 =	vmov s28  }
0x42: {  	v0 =	vmul.u32 $0x30, v0;
	_ =	sdelay $0x1  }
0x43: {  	v1 =	vld.idx.msk [tilespmem:v56+s13+$0x0], $0xffff;
	v2 =	vadd.s32 v29, v59;
	v55 =	vbroadcast v0, $0x0  }
0x44: {  	v3 =	vor.u32 $0x1, v56  }
0x45: {  	v0 =	vld.idx.msk [tilespmem:v57+s13+$0x0], $0xffff;
	v4 =	vadd.s32 v29, v55  }
0x46: {  	v5 =	vor.u32 $0x1, v57;
	_ =	sdelay $0x1  }
0x47: {  	[tilespmem:v2+s20+$0x0] =	vst.idx.msk $0xffff, v1  }
0x48: {  	v2 =	vadd.s32 v26, v59;
	v1 =	vld.idx.msk [tilespmem:v3+s13+$0x0], $0xffff  }
0x49: {  	v3 =	vor.u32 $0x2, v56;
	[tilespmem:v4+s20+$0x0] =	vst.idx.msk $0xffff, v0  }
0x4a: {  	v4 =	vadd.s32 v26, v55;
	v0 =	vld.idx.msk [tilespmem:v5+s13+$0x0], $0xffff  }
0x4b: {  	v5 =	vor.u32 $0x2, v57;
	_ =	sdelay $0x1  }
0x4c: {  	[tilespmem:v2+s20+$0x0] =	vst.idx.msk $0xffff, v1  }
0x4d: {  	v2 =	vadd.s32 v22, v59;
	v1 =	vld.idx.msk [tilespmem:v3+s13+$0x0], $0xffff  }
0x4e: {  	v3 =	vor.u32 $0x3, v56;
	[tilespmem:v4+s20+$0x0] =	vst.idx.msk $0xffff, v0  }
0x4f: {  	s28 =	simm.s32 $0x230;
	v4 =	vadd.s32 v22, v55;
	v0 =	vld.idx.msk [tilespmem:v5+s13+$0x0], $0xffff  }
0x50: {  	v6 =	vor.u32 $0x3, v57;
	v5 =	vld [tilespmem:s28+$0xFFFFFFF0];
	_ =	sdelay $0x1  }
0x51: {  	v7 =	vld [tilespmem:s28+$0x0];
	[tilespmem:v2+s20+$0x0] =	vst.idx.msk $0xffff, v1  }
0x52: {  	v2 =	vadd.s32 v28, v59;
	v1 =	vld.idx.msk [tilespmem:v3+s13+$0x0], $0xffff  }
0x53: {  	s28 =	simm.s32 $0x20;
	v3 =	vor.u32 $0x4, v56;
	[tilespmem:v4+s20+$0x0] =	vst.idx.msk $0xffff, v0  }
0x54: {  	v51 =	vshll.u32 v5, $0x4;
	v4 =	vadd.s32 v28, v55;
	v5 =	vmov s28;
	v0 =	vld.idx.msk [tilespmem:v6+s13+$0x0], $0xffff  }
0x55: {  	v6 =	vor.u32 $0x4, v57;
	v5 =	vmul.u32 $0x30, v5  }
0x56: {  	s28 =	simm.s32 $0x30  }
0x57: {  	v50 =	vshll.u32 v7, $0x4;
	[tilespmem:v2+s20+$0x0] =	vst.idx.msk $0xffff, v1;
	v1 =	vmov s28;
	v49 =	vbroadcast v5, $0x0  }
0x58: {  	v2 =	vld.idx.msk [tilespmem:v3+s13+$0x0], $0xffff;
	v3 =	vadd.s32 v27, v59;
	v1 =	vmul.u32 $0x30, v1  }
0x59: {  	v5 =	vor.u32 $0x5, v56;
	[tilespmem:v4+s20+$0x0] =	vst.idx.msk $0xffff, v0;
	v0 =	vld.idx.msk [tilespmem:v51+s13+$0x0], $0xffff;
	v4 =	vadd.s32 v29, v49  }
0x5a: {  	v7 =	vor.u32 $0x1, v51;
	v48 =	vbroadcast v1, $0x0;
	v1 =	vld.idx.msk [tilespmem:v6+s13+$0x0], $0xffff;
	v6 =	vadd.s32 v27, v55  }
0x5b: {  	v8 =	vor.u32 $0x5, v57  }
0x5c: {  	v9 =	vld.idx.msk [tilespmem:v50+s13+$0x0], $0xffff;
	v10 =	vadd.s32 v29, v48  }
0x5d: {  	[tilespmem:v3+s20+$0x0] =	vst.idx.msk $0xffff, v2  }
0x5e: {  	v2 =	vor.u32 $0x1, v50;
	v3 =	vld.idx.msk [tilespmem:v5+s13+$0x0], $0xffff;
	v5 =	vadd.s32 v30, v59;
	[tilespmem:v4+s20+$0x0] =	vst.idx.msk $0xffff, v0  }
0x5f: {  	v0 =	vor.u32 $0x6, v56;
	v4 =	vadd.s32 v26, v49;
	[tilespmem:v6+s20+$0x0] =	vst.idx.msk $0xffff, v1;
	v1 =	vld.idx.msk [tilespmem:v7+s13+$0x0], $0xffff  }
0x60: {  	v7 =	vadd.s32 v30, v55;
	v6 =	vld.idx.msk [tilespmem:v8+s13+$0x0], $0xffff;
	v8 =	vor.u32 $0x2, v51  }
0x61: {  	s28 =	simm.s32 $0x250;
	[tilespmem:v10+s20+$0x0] =	vst.idx.msk $0xffff, v9;
	v10 =	vor.u32 $0x6, v57  }
0x62: {  	v9 =	vld [tilespmem:s28+$0x0]  }
0x63: {  	v2 =	vld.idx.msk [tilespmem:v2+s13+$0x0], $0xffff;
	[tilespmem:v5+s20+$0x0] =	vst.idx.msk $0xffff, v3;
	v3 =	vadd.s32 v26, v48  }
0x64: {  	v11 =	vadd.s32 v24, v59;
	v5 =	vor.u32 $0x2, v50;
	v0 =	vld.idx.msk [tilespmem:v0+s13+$0x0], $0xffff;
	[tilespmem:v4+s20+$0x0] =	vst.idx.msk $0xffff, v1  }
0x65: {  	v1 =	vor.u32 $0x7, v56;
	[tilespmem:v7+s20+$0x0] =	vst.idx.msk $0xffff, v6;
	v4 =	vld.idx.msk [tilespmem:v8+s13+$0x0], $0xffff;
	v6 =	vadd.s32 v22, v49  }
0x66: {  	v8 =	vadd.s32 v24, v55;
	v7 =	vld.idx.msk [tilespmem:v10+s13+$0x0], $0xffff;
	v10 =	vor.u32 $0x3, v51  }
0x67: {  	v13 =	vor.u32 $0x7, v57;
	v12 =	vld [tilespmem:s28+$0xFFFFFFF0]  }
0x68: {  	v52 =	vshll.u32 v9, $0x4;
	[tilespmem:v3+s20+$0x0] =	vst.idx.msk $0xffff, v2  }
0x69: {  	v2 =	vld.idx.msk [tilespmem:v5+s13+$0x0], $0xffff;
	[tilespmem:v11+s20+$0x0] =	vst.idx.msk $0xffff, v0;
	v0 =	vadd.s32 v22, v48  }
0x6a: {  	v3 =	vor.u32 $0x3, v50;
	v5 =	vadd.s32 v23, v59;
	v1 =	vld.idx.msk [tilespmem:v1+s13+$0x0], $0xffff;
	[tilespmem:v6+s20+$0x0] =	vst.idx.msk $0xffff, v4  }
0x6b: {  	s28 =	simm.s32 $0x40;
	v4 =	vor.u32 $0x8, v56;
	[tilespmem:v8+s20+$0x0] =	vst.idx.msk $0xffff, v7;
	v6 =	vld.idx.msk [tilespmem:v10+s13+$0x0], $0xffff  }
0x6c: {  	v54 =	vshll.u32 v12, $0x4;
	v7 =	vadd.s32 v28, v49;
	v8 =	vmov s28;
	v10 =	vld.idx.msk [tilespmem:v13+s13+$0x0], $0xffff  }
0x6d: {  	v9 =	vor.u32 $0x4, v51;
	v11 =	vadd.s32 v23, v55;
	s28 =	simm.s32 $0x270;
	v8 =	vmul.u32 $0x30, v8;
	v13 =	vld.idx.msk [tilespmem:v52+s13+$0x0], $0xffff  }
0x6e: {  	v12 =	vor.u32 $0x8, v57;
	v18 =	vld [tilespmem:s28+$0x0];
	[tilespmem:v0+s20+$0x0] =	vst.idx.msk $0xffff, v2  }
0x6f: {  	v53 =	vbroadcast v8, $0x0;
	v0 =	vld.idx.msk [tilespmem:v3+s13+$0x0], $0xffff;
	[tilespmem:v5+s20+$0x0] =	vst.idx.msk $0xffff, v1;
	v1 =	vadd.s32 v28, v48  }
0x70: {  	v3 =	vor.u32 $0x4, v50;
	v2 =	vld.idx.msk [tilespmem:v4+s13+$0x0], $0xffff;
	v4 =	vadd.s32 v31, v59  }
0x71: {  	v5 =	vld.idx.msk [tilespmem:v54+s13+$0x0], $0xffff;
	[tilespmem:v7+s20+$0x0] =	vst.idx.msk $0xffff, v6;
	v6 =	vadd.s32 v29, v53;
	v7 =	vor.u32 $0x9, v56  }
0x72: {  	v8 =	vld.idx.msk [tilespmem:v9+s13+$0x0], $0xffff;
	v9 =	vadd.s32 v27, v49;
	[tilespmem:v11+s20+$0x0] =	vst.idx.msk $0xffff, v10;
	v10 =	vor.u32 $0x1, v54  }
0x73: {  	v14 =	vadd.s32 v31, v55;
	v11 =	vor.u32 $0x5, v51;
	v12 =	vld.idx.msk [tilespmem:v12+s13+$0x0], $0xffff  }
0x74: {  	s29 =	simm.s32 $0x50;
	v16 =	vor.u32 $0x9, v57;
	v63 =	vld [tilespmem:s28+$0xFFFFFFF0];
	[tilespmem:v1+s20+$0x0] =	vst.idx.msk $0xffff, v0  }
0x75: {  	v60 =	vshll.u32 v18, $0x4;
	v0 =	vmov s29;
	v1 =	vld.idx.msk [tilespmem:v3+s13+$0x0], $0xffff;
	[tilespmem:v4+s20+$0x0] =	vst.idx.msk $0xffff, v2;
	v2 =	vadd.s32 v27, v48  }
0x76: {  	v0 =	vmul.u32 $0x30, v0;
	[tilespmem:v6+s20+$0x0] =	vst.idx.msk $0xffff, v5;
	v4 =	vld.idx.msk [tilespmem:v7+s13+$0x0], $0xffff;
	v5 =	vor.u32 $0x5, v50;
	v6 =	vadd.s32 v40, v59  }
0x77: {  	[tilespmem:v9+s20+$0x0] =	vst.idx.msk $0xffff, v8;
	v7 =	vld.idx.msk [tilespmem:v10+s13+$0x0], $0xffff;
	v8 =	vadd.s32 v26, v53;
	v9 =	vor.u32 $0xA, v56  }
0x78: {  	v58 =	vbroadcast v0, $0x0;
	v10 =	vadd.s32 v30, v49;
	v0 =	vld.idx.msk [tilespmem:v11+s13+$0x0], $0xffff;
	[tilespmem:v14+s20+$0x0] =	vst.idx.msk $0xffff, v12;
	v11 =	vor.u32 $0x2, v54  }
0x79: {  	v12 =	vor.u32 $0x6, v51;
	v14 =	vld.idx.msk [tilespmem:v16+s13+$0x0], $0xffff;
	v16 =	vadd.s32 v40, v55  }
0x7a: {  	v19 =	vor.u32 $0xA, v57;
	v33 =	vld.idx.msk [tilespmem:v60+s13+$0x0], $0xffff;
	v17 =	vadd.s32 v29, v58;
	[tilespmem:v2+s20+$0x0] =	vst.idx.msk $0xffff, v1  }
0x7b: {  	v1 =	vor.u32 $0x1, v52;
	v2 =	vld.idx.msk [tilespmem:v5+s13+$0x0], $0xffff;
	[tilespmem:v6+s20+$0x0] =	vst.idx.msk $0xffff, v4;
	v4 =	vadd.s32 v30, v48  }
0x7c: {  	v6 =	vor.u32 $0x6, v50;
	[tilespmem:v8+s20+$0x0] =	vst.idx.msk $0xffff, v7;
	v5 =	vld.idx.msk [tilespmem:v9+s13+$0x0], $0xffff;
	v7 =	vadd.s32 v41, v59  }
0x7d: {  	v8 =	vadd.s32 v22, v53;
	v9 =	vor.u32 $0xB, v56;
	[tilespmem:v10+s20+$0x0] =	vst.idx.msk $0xffff, v0;
	v0 =	vld.idx.msk [tilespmem:v11+s13+$0x0], $0xffff  }
0x7e: {  	s29 =	simm.s32 $0x70;
	v11 =	vor.u32 $0x3, v54;
	v25 =	vld.idx.msk [tilespmem:v12+s13+$0x0], $0xffff;
	[tilespmem:v16+s20+$0x0] =	vst.idx.msk $0xffff, v14;
	v14 =	vadd.s32 v24, v49  }
0x7f: {  	v18 =	vor.u32 $0x7, v51;
	[tilespmem:v17+s20+$0x0] =	vst.idx.msk $0xffff, v13;
	v13 =	vadd.s32 v41, v55;
	v16 =	vmov s29;
	v12 =	vld.idx.msk [tilespmem:v19+s13+$0x0], $0xffff  }
0x80: {  	v15 =	vld.idx.msk [tilespmem:v1+s13+$0x0], $0xffff;
	v1 =	vor.u32 $0xB, v57;
	[tilespmem:v4+s20+$0x0] =	vst.idx.msk $0xffff, v2;
	v2 =	vmul.u32 $0x30, v16;
	v16 =	vadd.s32 v26, v58  }
0x81: {  	v19 =	vadd.s32 v24, v48;
	v17 =	vld.idx.msk [tilespmem:v6+s13+$0x0], $0xffff;
	[tilespmem:v7+s20+$0x0] =	vst.idx.msk $0xffff, v5;
	v6 =	vor.u32 $0x2, v52  }
0x82: {  	v21 =	vadd.s32 v42, v59;
	v10 =	vor.u32 $0x7, v50;
	[tilespmem:v8+s20+$0x0] =	vst.idx.msk $0xffff, v0;
	v35 =	vld.idx.msk [tilespmem:v9+s13+$0x0], $0xffff;
	v61 =	vbroadcast v2, $0x0  }
0x83: {  	v8 =	vadd.s32 v28, v53;
	v20 =	vld.idx.msk [tilespmem:v11+s13+$0x0], $0xffff;
	v11 =	vor.u32 $0xC, v56;
	[tilespmem:v14+s20+$0x0] =	vst.idx.msk $0xffff, v25  }
0x84: {  	v36 =	vor.u32 $0x4, v54;
	[tilespmem:v13+s20+$0x0] =	vst.idx.msk $0xffff, v12;
	v25 =	vadd.s32 v29, v61;
	v9 =	vld.idx.msk [tilespmem:v18+s13+$0x0], $0xffff  }
0x85: {  	v37 =	vmov v34;
	v62 =	vadd.s32 v34, v48;
	v7 =	vld.idx.msk [tilespmem:v1+s13+$0x0], $0xffff;
	[tilespmem:v16+s20+$0x0] =	vst.idx.msk $0xffff, v15  }
0x86: {  	v43 =	vmov v24;
	v63 =	vshll.u32 v63, $0x4;
	v3 =	vadd.s32 v34, v59;
	v15 =	vld.idx.msk [tilespmem:v6+s13+$0x0], $0xffff;
	[tilespmem:v19+s20+$0x0] =	vst.idx.msk $0xffff, v17  }
0x87: {  	s30 =	simm.s32 $0x60;
	v39 =	vmovc v31;
	v4 =	vor.u32 $0x8, v51;
	v5 =	vor.u32 $0x8, v63;
	v2 =	vor.u32 $0x8, v54;
	v14 =	vld.idx.msk [tilespmem:v10+s13+$0x0], $0xffff;
	[tilespmem:v21+s20+$0x0] =	vst.idx.msk $0xffff, v35  }
0x88: {  	v0 =	vadd.s32 v34, v61;
	v13 =	vadd.s32 v42, v55;
	v10 =	vmov s30;
	[tilespmem:v8+s20+$0x0] =	vst.idx.msk $0xffff, v20;
	v11 =	vld.idx.msk [tilespmem:v11+s13+$0x0], $0xffff  }
0x89: {  	v12 =	vor.u32 $0xC, v57;
	v18 =	vadd.s32 v22, v58;
	v21 =	vmul.u32 $0x30, v10;
	[tilespmem:v25+s20+$0x0] =	vst.idx.msk $0xffff, v33;
	v10 =	vld.idx.msk [tilespmem:v36+s13+$0x0], $0xffff  }
0x8a: {  	v38 =	vmovc v23;
	v45 =	vmovc v32;
	v1 =	vadd.s32 v34, v58;
	v17 =	vadd.s32 v23, v48;
	v20 =	vor.u32 $0x3, v52;
	v44 =	vld [tilespmem:$0x1FD40]  }
0x8b: {  	v16 =	vor.u32 $0x8, v50;
	v6 =	vor.u32 $0x1, v60;
	v19 =	vadd.s32 v23, v49;
	s30 =	simm.s32 $0x6;
	v8 =	vmovc v63;
	v33 =	vmovc v22;
	v46 =	vld [tilespmem:$0x1FD50]  }
.LBB2_2:
0x8c: {  	_ = 	snop  }
0x8d: {  	v63 =	vld.idx.msk [tilespmem:v63+s13+$0x0], $0xffff;
	[tilespmem:v13+s20+$0x0] =	vst.idx.msk $0xffff, v7;
	v7 =	vbroadcast v21, $0x0;
	v13 =	vadd.s32 v27, v53  }
0x8e: {  	[tilespmem:v18+s20+$0x0] =	vst.idx.msk $0xffff, v15;
	v15 =	vadd.s32 v37, v55;
	v12 =	vld.idx.msk [tilespmem:v12+s13+$0x0], $0xffff  }
0x8f: {  	s28 =	sadd.s32 $0x20, s28;
	v21 =	vor.u32 $0xD, v56;
	v20 =	vld.idx.msk [tilespmem:v20+s13+$0x0], $0xffff;
	[tilespmem:v17+s20+$0x0] =	vst.idx.msk $0xffff, v14;
	v18 =	vadd.s32 v29, v7  }
0x90: {  	v22 =	vld [tilespmem:s28+$0xFFFFFFF0];
	v14 =	vor.u32 $0xD, v57;
	[tilespmem:v19+s20+$0x0] =	vst.idx.msk $0xffff, v9  }
0x91: {  	v17 =	vor.u32 $0x5, v54;
	v9 =	vld.idx.msk [tilespmem:v16+s13+$0x0], $0xffff;
	[tilespmem:v3+s20+$0x0] =	vst.idx.msk $0xffff, v11  }
0x92: {  	v23 =	vadd.s32 v28, v58;
	v19 =	vld.idx.msk [tilespmem:v4+s13+$0x0], $0xffff;
	[tilespmem:v13+s20+$0x0] =	vst.idx.msk $0xffff, v10  }
0x93: {  	v24 =	vadd.s32 v39, v48;
	v16 =	vor.u32 $0x4, v52;
	[tilespmem:v15+s20+$0x0] =	vst.idx.msk $0xffff, v12  }
0x94: {  	v10 =	vadd.s32 v39, v49;
	v13 =	vor.u32 $0x9, v50;
	v12 =	vld.idx.msk [tilespmem:v21+s13+$0x0], $0xffff;
	[tilespmem:v18+s20+$0x0] =	vst.idx.msk $0xffff, v63  }
0x95: {  	v4 =	vmovc v2;
	v2 =	vmov v5;
	v5 =	vor.u32 $0x1, v8;
	v15 =	vadd.s32 v44, v59;
	v14 =	vld.idx.msk [tilespmem:v14+s13+$0x0], $0xffff  }
0x96: {  	v3 =	vmovc v62;
	v62 =	vmovc v1;
	v1 =	vmov v0;
	v18 =	vor.u32 $0x9, v51;
	v0 =	vld.idx.msk [tilespmem:v17+s13+$0x0], $0xffff;
	v17 =	vadd.s32 v44, v55  }
0x97: {  	v11 =	vld [tilespmem:s28+$0x0];
	[tilespmem:v23+s20+$0x0] =	vst.idx.msk $0xffff, v20;
	v20 =	vor.u32 $0xE, v56;
	v21 =	vadd.s32 v30, v53  }
0x98: {  	v16 =	vld.idx.msk [tilespmem:v16+s13+$0x0], $0xffff;
	[tilespmem:v24+s20+$0x0] =	vst.idx.msk $0xffff, v9;
	v9 =	vor.u32 $0xE, v57  }
0x99: {  	v23 =	vor.u32 $0x6, v54;
	v24 =	vadd.s32 v27, v58;
	[tilespmem:v10+s20+$0x0] =	vst.idx.msk $0xffff, v19;
	v10 =	vld.idx.msk [tilespmem:v13+s13+$0x0], $0xffff  }
0x9a: {  	v13 =	vor.u32 $0x5, v52;
	v19 =	vadd.s32 v40, v48;
	v5 =	vld.idx.msk [tilespmem:v5+s13+$0x0], $0xffff;
	[tilespmem:v15+s20+$0x0] =	vst.idx.msk $0xffff, v12  }
0x9b: {  	v25 =	vor.u32 $0xA, v50;
	v47 =	vadd.s32 v26, v7;
	v18 =	vld.idx.msk [tilespmem:v18+s13+$0x0], $0xffff;
	[tilespmem:v17+s20+$0x0] =	vst.idx.msk $0xffff, v14  }
0x9c: {  	v12 =	vor.u32 $0x2, v8;
	v15 =	vadd.s32 v40, v49;
	v14 =	vld.idx.msk [tilespmem:v20+s13+$0x0], $0xffff;
	[tilespmem:v21+s20+$0x0] =	vst.idx.msk $0xffff, v0  }
0x9d: {  	v17 =	vadd.s32 v45, v59;
	v0 =	vor.u32 $0xA, v51;
	v9 =	vld.idx.msk [tilespmem:v9+s13+$0x0], $0xffff  }
0x9e: {  	v35 =	vmov v27;
	[tilespmem:v24+s20+$0x0] =	vst.idx.msk $0xffff, v16;
	v16 =	vadd.s32 v45, v55;
	v21 =	vor.u32 $0xF, v56;
	v20 =	vld.idx.msk [tilespmem:v23+s13+$0x0], $0xffff  }
0x9f: {  	v56 =	vmov v50;
	v50 =	vmov v52;
	v23 =	vadd.s32 v43, v53;
	v13 =	vld.idx.msk [tilespmem:v13+s13+$0x0], $0xffff;
	[tilespmem:v19+s20+$0x0] =	vst.idx.msk $0xffff, v10  }
0xa0: {  	v52 =	vmov v60;
	v10 =	vor.u32 $0xF, v57;
	v19 =	vadd.s32 v30, v58;
	[tilespmem:v47+s20+$0x0] =	vst.idx.msk $0xffff, v5;
	v24 =	vld.idx.msk [tilespmem:v25+s13+$0x0], $0xffff  }
0xa1: {  	v60 =	vshll.u32 v11, $0x4;
	v11 =	vld.idx.msk [tilespmem:v12+s13+$0x0], $0xffff;
	v12 =	vor.u32 $0x6, v50;
	[tilespmem:v15+s20+$0x0] =	vst.idx.msk $0xffff, v18;
	v15 =	vadd.s32 v41, v48  }
0xa2: {  	v63 =	vshll.u32 v22, $0x4;
	v22 =	vor.u32 $0xB, v56;
	v18 =	vadd.s32 v33, v7;
	[tilespmem:v17+s20+$0x0] =	vst.idx.msk $0xffff, v14;
	v0 =	vld.idx.msk [tilespmem:v0+s13+$0x0], $0xffff  }
0xa3: {  	v34 =	vmov v28;
	v14 =	vor.u32 $0x3, v8;
	v17 =	vadd.s32 v41, v49;
	[tilespmem:v16+s20+$0x0] =	vst.idx.msk $0xffff, v9;
	v9 =	vld.idx.msk [tilespmem:v21+s13+$0x0], $0xffff  }
0xa4: {  	s29 =	sadd.s32 $0x20, s29;
	v57 =	vmov v51;
	v25 =	vor.u32 $0x7, v54;
	[tilespmem:v23+s20+$0x0] =	vst.idx.msk $0xffff, v20;
	v20 =	vadd.s32 v46, v59;
	v23 =	vld.idx.msk [tilespmem:v6+s13+$0x0], $0xffff  }
0xa5: {  	v31 =	vmovc v29;
	v16 =	vadd.s32 v46, v55;
	v21 =	vmov s29;
	[tilespmem:v19+s20+$0x0] =	vst.idx.msk $0xffff, v13;
	v13 =	vor.u32 $0xB, v57;
	v10 =	vld.idx.msk [tilespmem:v10+s13+$0x0], $0xffff  }
0xa6: {  	v55 =	vmov v49;
	v6 =	vmul.u32 $0x30, v21;
	v21 =	vadd.s32 v26, v61;
	v12 =	vld.idx.msk [tilespmem:v12+s13+$0x0], $0xffff;
	[tilespmem:v15+s20+$0x0] =	vst.idx.msk $0xffff, v24  }
0xa7: {  	v49 =	vmov v53;
	[tilespmem:v18+s20+$0x0] =	vst.idx.msk $0xffff, v11;
	v11 =	vor.u32 $0x2, v52;
	v18 =	vadd.s32 v43, v58;
	v22 =	vld.idx.msk [tilespmem:v22+s13+$0x0], $0xffff  }
0xa8: {  	v53 =	vmov v7;
	v19 =	vadd.s32 v42, v48;
	v26 =	vld.idx.msk [tilespmem:v14+s13+$0x0], $0xffff;
	v14 =	vor.u32 $0x7, v50;
	[tilespmem:v17+s20+$0x0] =	vst.idx.msk $0xffff, v0  }
0xa9: {  	v36 =	vmov v30;
	v24 =	vbroadcast v6, $0x0;
	v27 =	vld.idx.msk [tilespmem:v60+s13+$0x0], $0xffff;
	v17 =	vadd.s32 v28, v53;
	[tilespmem:v20+s20+$0x0] =	vst.idx.msk $0xffff, v9  }
0xaa: {  	s30 =	sadd.s32 $0x2, s30;
	v51 =	vmovc v54;
	v30 =	vor.u32 $0x4, v8;
	v5 =	vor.u32 $0x8, v63;
	v28 =	vor.u32 $0xC, v56;
	v7 =	vld.idx.msk [tilespmem:v13+s13+$0x0], $0xffff;
	[tilespmem:v16+s20+$0x0] =	vst.idx.msk $0xffff, v10  }
0xab: {  	p0 =	slt.u32 s30, $0x1E;
	v54 =	vmov v8;
	v8 =	vmov v63;
	v29 =	vadd.s32 v29, v24;
	[tilespmem:v21+s20+$0x0] =	vst.idx.msk $0xffff, v23;
	v9 =	vld.idx.msk [tilespmem:v25+s13+$0x0], $0xffff  }
.Ltmp0:
0xac: {  	s31 =	sadd.s32 $0xFFFFFFF0, s29;
	v59 =	vmov v48;
	v6 =	vor.u32 $0x1, v60;
	v0 =	vadd.s32 v37, v24;
	v15 =	vld.idx.msk [tilespmem:v11+s13+$0x0], $0xffff;
	[tilespmem:v18+s20+$0x0] =	vst.idx.msk $0xffff, v12;
	(pc) =	sbr.rel @p0 .LBB2_2-.Ltmp0, $4  }
0xad: {  	v48 =	vmovc v58;
	v13 =	vadd.s32 v42, v55;
	v20 =	vor.u32 $0x3, v52;
	v10 =	vmov s31;
	v14 =	vld.idx.msk [tilespmem:v14+s13+$0x0], $0xffff;
	[tilespmem:v19+s20+$0x0] =	vst.idx.msk $0xffff, v22  }
0xae: {  	v58 =	vmovc v61;
	v16 =	vor.u32 $0x8, v50;
	v12 =	vor.u32 $0xC, v57;
	v18 =	vadd.s32 v33, v61;
	[tilespmem:v17+s20+$0x0] =	vst.idx.msk $0xffff, v26;
	v26 =	vld [tilespmem:$0x1FFF0]  }
0xaf: {  	v61 =	vmovc v24;
	v21 =	vmul.u32 $0x30, v10;
	v17 =	vadd.s32 v38, v48;
	v19 =	vadd.s32 v38, v49;
	v11 =	vld.idx.msk [tilespmem:v28+s13+$0x0], $0xffff  }
0xb0: {  	v28 =	vmovc v34;
	[tilespmem:v29+s20+$0x0] =	vst.idx.msk $0xffff, v27;
	v27 =	vmov v35;
	v29 =	vmov v31;
	v10 =	vld.idx.msk [tilespmem:v30+s13+$0x0], $0xffff;
	v30 =	vmov v36  }
0xb1: {  	_ =	sdelay $0x1  }
0xb2: {  	v32 =	vbroadcast v21, $0x0;
	_ =	sdelay $0x1  }
0xb3: {  	v25 =	vld.idx.msk [tilespmem:v63+s13+$0x0], $0xffff;
	v22 =	vadd.s32 v29, v32  }
0xb4: {  	v23 =	vor.u32 $0x1, v8;
	_ =	sdelay $0x2  }
0xb5: {  	v6 =	vld.idx.msk [tilespmem:v6+s13+$0x0], $0xffff;
	v47 =	vadd.s32 v26, v61  }
0xb6: {  	v24 =	vor.u32 $0x2, v60;
	[tilespmem:v22+s20+$0x0] =	vst.idx.msk $0xffff, v25  }
0xb7: {  	v63 =	vadd.s32 v26, v32;
	v22 =	vld.idx.msk [tilespmem:v23+s13+$0x0], $0xffff  }
0xb8: {  	v25 =	vor.u32 $0x2, v8;
	_ =	sdelay $0x1  }
0xb9: {  	[tilespmem:v47+s20+$0x0] =	vst.idx.msk $0xffff, v6  }
0xba: {  	v47 =	vadd.s32 v33, v61;
	v6 =	vld.idx.msk [tilespmem:v24+s13+$0x0], $0xffff  }
0xbb: {  	[tilespmem:v63+s20+$0x0] =	vst.idx.msk $0xffff, v22  }
0xbc: {  	v23 =	vadd.s32 v33, v32;
	v63 =	vor.u32 $0x3, v60;
	v22 =	vld.idx.msk [tilespmem:v25+s13+$0x0], $0xffff  }
0xbd: {  	[tilespmem:v18+s20+$0x0] =	vst.idx.msk $0xffff, v15;
	v25 =	vor.u32 $0x3, v8  }
0xbe: {  	v15 =	vld.idx.msk [tilespmem:v20+s13+$0x0], $0xffff;
	v33 =	vadd.s32 v28, v58  }
0xbf: {  	[tilespmem:v47+s20+$0x0] =	vst.idx.msk $0xffff, v6;
	v47 =	vor.u32 $0x4, v52;
	_ =	sdelay $0x1  }
0xc0: {  	v20 =	vld.idx.msk [tilespmem:v63+s13+$0x0], $0xffff;
	v63 =	vadd.s32 v28, v61;
	[tilespmem:v23+s20+$0x0] =	vst.idx.msk $0xffff, v22  }
0xc1: {  	[tilespmem:v13+s20+$0x0] =	vst.idx.msk $0xffff, v7;
	v13 =	vadd.s32 v28, v32;
	v24 =	vor.u32 $0x4, v60;
	v7 =	vld.idx.msk [tilespmem:v25+s13+$0x0], $0xffff  }
0xc2: {  	v26 =	vadd.s32 v27, v53;
	[tilespmem:v33+s20+$0x0] =	vst.idx.msk $0xffff, v15;
	v25 =	vor.u32 $0x4, v8  }
0xc3: {  	[tilespmem:v17+s20+$0x0] =	vst.idx.msk $0xffff, v14;
	v33 =	vadd.s32 v27, v58;
	v6 =	vld.idx.msk [tilespmem:v47+s13+$0x0], $0xffff  }
0xc4: {  	[tilespmem:v3+s20+$0x0] =	vst.idx.msk $0xffff, v11;
	v47 =	vor.u32 $0x5, v52  }
0xc5: {  	v12 =	vld.idx.msk [tilespmem:v12+s13+$0x0], $0xffff;
	v15 =	vadd.s32 v37, v55;
	[tilespmem:v63+s20+$0x0] =	vst.idx.msk $0xffff, v20  }
0xc6: {  	v63 =	vor.u32 $0x5, v54;
	[tilespmem:v13+s20+$0x0] =	vst.idx.msk $0xffff, v7;
	v7 =	vld.idx.msk [tilespmem:v24+s13+$0x0], $0xffff;
	v24 =	vadd.s32 v27, v61  }
0xc7: {  	v11 =	vadd.s32 v27, v32;
	[tilespmem:v26+s20+$0x0] =	vst.idx.msk $0xffff, v10;
	v3 =	vld.idx.msk [tilespmem:v25+s13+$0x0], $0xffff;
	v25 =	vor.u32 $0x5, v60  }
0xc8: {  	v16 =	vld.idx.msk [tilespmem:v16+s13+$0x0], $0xffff;
	v10 =	vor.u32 $0x5, v8;
	v20 =	vadd.s32 v39, v48;
	[tilespmem:v33+s20+$0x0] =	vst.idx.msk $0xffff, v6  }
0xc9: {  	[tilespmem:v19+s20+$0x0] =	vst.idx.msk $0xffff, v9;
	v26 =	vor.u32 $0xD, v56;
	v9 =	vld.idx.msk [tilespmem:v47+s13+$0x0], $0xffff;
	v47 =	vadd.s32 v30, v58  }
0xca: {  	v4 =	vld.idx.msk [tilespmem:v4+s13+$0x0], $0xffff;
	[tilespmem:v15+s20+$0x0] =	vst.idx.msk $0xffff, v12;
	v33 =	vor.u32 $0xD, v57;
	v27 =	vadd.s32 v39, v49  }
0xcb: {  	v18 =	vadd.s32 v30, v53;
	v15 =	vld.idx.msk [tilespmem:v63+s13+$0x0], $0xffff;
	v63 =	vor.u32 $0x6, v52;
	[tilespmem:v24+s20+$0x0] =	vst.idx.msk $0xffff, v7  }
0xcc: {  	v24 =	vor.u32 $0x6, v54;
	[tilespmem:v11+s20+$0x0] =	vst.idx.msk $0xffff, v3;
	v3 =	vld.idx.msk [tilespmem:v25+s13+$0x0], $0xffff;
	v25 =	vadd.s32 v30, v61  }
0xcd: {  	v14 =	vor.u32 $0x6, v60;
	v13 =	vadd.s32 v30, v32;
	[tilespmem:v20+s20+$0x0] =	vst.idx.msk $0xffff, v16;
	v10 =	vld.idx.msk [tilespmem:v10+s13+$0x0], $0xffff  }
0xce: {  	v17 =	vadd.s32 v44, v59;
	v16 =	vld.idx.msk [tilespmem:v26+s13+$0x0], $0xffff;
	v26 =	vor.u32 $0x6, v8;
	[tilespmem:v47+s20+$0x0] =	vst.idx.msk $0xffff, v9  }
0xcf: {  	v6 =	vld.idx.msk [tilespmem:v33+s13+$0x0], $0xffff;
	v33 =	vadd.s32 v44, v55;
	[tilespmem:v27+s20+$0x0] =	vst.idx.msk $0xffff, v4;
	v27 =	vor.u32 $0x9, v50  }
0xd0: {  	v47 =	vor.u32 $0x9, v51;
	[tilespmem:v18+s20+$0x0] =	vst.idx.msk $0xffff, v15;
	v12 =	vld.idx.msk [tilespmem:v63+s13+$0x0], $0xffff;
	v63 =	vadd.s32 v43, v58  }
0xd1: {  	v18 =	vadd.s32 v43, v53;
	v7 =	vld.idx.msk [tilespmem:v24+s13+$0x0], $0xffff;
	v24 =	vor.u32 $0x7, v52;
	[tilespmem:v25+s20+$0x0] =	vst.idx.msk $0xffff, v3  }
0xd2: {  	v11 =	vadd.s32 v43, v61;
	v25 =	vor.u32 $0x7, v54;
	[tilespmem:v13+s20+$0x0] =	vst.idx.msk $0xffff, v10;
	v10 =	vld.idx.msk [tilespmem:v14+s13+$0x0], $0xffff  }
0xd3: {  	[tilespmem:v17+s20+$0x0] =	vst.idx.msk $0xffff, v16;
	v13 =	vadd.s32 v43, v32;
	v4 =	vld.idx.msk [tilespmem:v26+s13+$0x0], $0xffff;
	v26 =	vor.u32 $0x7, v60  }
0xd4: {  	[tilespmem:v33+s20+$0x0] =	vst.idx.msk $0xffff, v6;
	v33 =	vor.u32 $0x7, v8;
	v16 =	vld.idx.msk [tilespmem:v27+s13+$0x0], $0xffff;
	v27 =	vadd.s32 v40, v48  }
0xd5: {  	v9 =	vld.idx.msk [tilespmem:v47+s13+$0x0], $0xffff;
	v47 =	vadd.s32 v40, v49;
	v43 =	vor.u32 $0xE, v56;
	[tilespmem:v63+s20+$0x0] =	vst.idx.msk $0xffff, v12  }
0xd6: {  	v23 =	vadd.s32 v38, v58;
	v63 =	vor.u32 $0xE, v57;
	[tilespmem:v18+s20+$0x0] =	vst.idx.msk $0xffff, v7;
	v22 =	vld.idx.msk [tilespmem:v24+s13+$0x0], $0xffff  }
0xd7: {  	v24 =	vadd.s32 v38, v53;
	v3 =	vld.idx.msk [tilespmem:v25+s13+$0x0], $0xffff;
	v25 =	vor.u32 $0x8, v52;
	[tilespmem:v11+s20+$0x0] =	vst.idx.msk $0xffff, v10  }
0xd8: {  	[tilespmem:v13+s20+$0x0] =	vst.idx.msk $0xffff, v4;
	v4 =	vld.idx.msk [tilespmem:v26+s13+$0x0], $0xffff;
	v26 =	vadd.s32 v38, v61  }
0xd9: {  	[tilespmem:v27+s20+$0x0] =	vst.idx.msk $0xffff, v16;
	v27 =	vadd.s32 v38, v32;
	v6 =	vld.idx.msk [tilespmem:v33+s13+$0x0], $0xffff;
	v33 =	vor.u32 $0x8, v60  }
0xda: {  	[tilespmem:v47+s20+$0x0] =	vst.idx.msk $0xffff, v9;
	v38 =	vld.idx.msk [tilespmem:v43+s13+$0x0], $0xffff;
	v43 =	vadd.s32 v45, v59  }
0xdb: {  	v47 =	vor.u32 $0xA, v50;
	v12 =	vld.idx.msk [tilespmem:v63+s13+$0x0], $0xffff;
	v63 =	vadd.s32 v45, v55;
	[tilespmem:v23+s20+$0x0] =	vst.idx.msk $0xffff, v22  }
0xdc: {  	v21 =	vor.u32 $0xA, v51;
	v23 =	vadd.s32 v39, v58;
	[tilespmem:v24+s20+$0x0] =	vst.idx.msk $0xffff, v3;
	v22 =	vld.idx.msk [tilespmem:v25+s13+$0x0], $0xffff  }
0xdd: {  	v24 =	vadd.s32 v39, v53;
	v25 =	vor.u32 $0x9, v52;
	v2 =	vld.idx.msk [tilespmem:v2+s13+$0x0], $0xffff;
	[tilespmem:v26+s20+$0x0] =	vst.idx.msk $0xffff, v4  }
0xde: {  	v26 =	vor.u32 $0x9, v54;
	[tilespmem:v27+s20+$0x0] =	vst.idx.msk $0xffff, v6;
	v27 =	vld.idx.msk [tilespmem:v33+s13+$0x0], $0xffff;
	v33 =	vadd.s32 v39, v61  }
0xdf: {  	[tilespmem:v43+s20+$0x0] =	vst.idx.msk $0xffff, v38;
	v38 =	vadd.s32 v39, v32;
	v39 =	vor.u32 $0x9, v60;
	v5 =	vld.idx.msk [tilespmem:v5+s13+$0x0], $0xffff  }
0xe0: {  	v9 =	vld.idx.msk [tilespmem:v47+s13+$0x0], $0xffff;
	v47 =	vor.u32 $0x9, v8;
	v43 =	vadd.s32 v41, v48;
	[tilespmem:v63+s20+$0x0] =	vst.idx.msk $0xffff, v12  }
0xe1: {  	v7 =	vld.idx.msk [tilespmem:v21+s13+$0x0], $0xffff;
	v21 =	vadd.s32 v41, v49;
	v63 =	vor.u32 $0xF, v56;
	[tilespmem:v23+s20+$0x0] =	vst.idx.msk $0xffff, v22  }
0xe2: {  	v22 =	vor.u32 $0xF, v57;
	[tilespmem:v24+s20+$0x0] =	vst.idx.msk $0xffff, v2;
	v23 =	vld.idx.msk [tilespmem:v25+s13+$0x0], $0xffff;
	v24 =	vadd.s32 v40, v58  }
0xe3: {  	v25 =	vor.u32 $0xA, v52;
	v4 =	vld.idx.msk [tilespmem:v26+s13+$0x0], $0xffff;
	v26 =	vadd.s32 v40, v53;
	[tilespmem:v33+s20+$0x0] =	vst.idx.msk $0xffff, v27  }
0xe4: {  	v27 =	vor.u32 $0xA, v54;
	[tilespmem:v38+s20+$0x0] =	vst.idx.msk $0xffff, v5;
	v33 =	vld.idx.msk [tilespmem:v39+s13+$0x0], $0xffff;
	v38 =	vadd.s32 v40, v61  }
0xe5: {  	[tilespmem:v43+s20+$0x0] =	vst.idx.msk $0xffff, v9;
	v43 =	vor.u32 $0xA, v60;
	v39 =	vld.idx.msk [tilespmem:v47+s13+$0x0], $0xffff;
	v47 =	vadd.s32 v40, v32  }
0xe6: {  	[tilespmem:v21+s20+$0x0] =	vst.idx.msk $0xffff, v7;
	v57 =	vadd.s32 v46, v59;
	v59 =	vor.u32 $0xA, v8;
	v56 =	vld.idx.msk [tilespmem:v63+s13+$0x0], $0xffff  }
0xe7: {  	v21 =	vadd.s32 v46, v55;
	v63 =	vor.u32 $0xB, v50;
	v3 =	vld.idx.msk [tilespmem:v22+s13+$0x0], $0xffff;
	[tilespmem:v24+s20+$0x0] =	vst.idx.msk $0xffff, v23  }
0xe8: {  	v22 =	vor.u32 $0xB, v51;
	v23 =	vadd.s32 v41, v58;
	v15 =	vld.idx.msk [tilespmem:v25+s13+$0x0], $0xffff;
	[tilespmem:v26+s20+$0x0] =	vst.idx.msk $0xffff, v4  }
0xe9: {  	v24 =	vor.u32 $0xB, v52;
	v25 =	vadd.s32 v41, v53;
	v6 =	vld.idx.msk [tilespmem:v27+s13+$0x0], $0xffff;
	[tilespmem:v38+s20+$0x0] =	vst.idx.msk $0xffff, v33  }
0xea: {  	v26 =	vor.u32 $0xB, v54;
	v27 =	vadd.s32 v41, v61;
	v10 =	vld.idx.msk [tilespmem:v43+s13+$0x0], $0xffff;
	[tilespmem:v47+s20+$0x0] =	vst.idx.msk $0xffff, v39  }
0xeb: {  	[tilespmem:v57+s20+$0x0] =	vst.idx.msk $0xffff, v56;
	v33 =	vor.u32 $0xB, v60;
	v38 =	vadd.s32 v41, v32;
	v7 =	vld.idx.msk [tilespmem:v59+s13+$0x0], $0xffff  }
0xec: {  	v40 =	vld.idx.msk [tilespmem:v63+s13+$0x0], $0xffff;
	v41 =	vor.u32 $0xB, v8;
	v39 =	vadd.s32 v42, v48;
	[tilespmem:v21+s20+$0x0] =	vst.idx.msk $0xffff, v3  }
0xed: {  	v43 =	vor.u32 $0xC, v50;
	v2 =	vld.idx.msk [tilespmem:v22+s13+$0x0], $0xffff;
	v47 =	vadd.s32 v42, v49;
	[tilespmem:v23+s20+$0x0] =	vst.idx.msk $0xffff, v15  }
0xee: {  	v55 =	vor.u32 $0xC, v51;
	v56 =	vadd.s32 v42, v58;
	v18 =	vld.idx.msk [tilespmem:v24+s13+$0x0], $0xffff;
	[tilespmem:v25+s20+$0x0] =	vst.idx.msk $0xffff, v6  }
0xef: {  	v57 =	vor.u32 $0xC, v52;
	v59 =	vadd.s32 v42, v53;
	v5 =	vld.idx.msk [tilespmem:v26+s13+$0x0], $0xffff;
	[tilespmem:v27+s20+$0x0] =	vst.idx.msk $0xffff, v10  }
0xf0: {  	v20 =	vadd.s32 v42, v61;
	v63 =	vor.u32 $0xC, v54;
	v11 =	vld.idx.msk [tilespmem:v33+s13+$0x0], $0xffff;
	[tilespmem:v38+s20+$0x0] =	vst.idx.msk $0xffff, v7  }
0xf1: {  	v21 =	vor.u32 $0xC, v60;
	v22 =	vadd.s32 v42, v32;
	[tilespmem:v39+s20+$0x0] =	vst.idx.msk $0xffff, v40;
	v3 =	vld.idx.msk [tilespmem:v41+s13+$0x0], $0xffff  }
0xf2: {  	v23 =	vor.u32 $0xC, v8;
	[tilespmem:v47+s20+$0x0] =	vst.idx.msk $0xffff, v2;
	v13 =	vld.idx.msk [tilespmem:v43+s13+$0x0], $0xffff  }
0xf3: {  	v24 =	vor.u32 $0xD, v50;
	v25 =	vadd.s32 v37, v49;
	v4 =	vld.idx.msk [tilespmem:v55+s13+$0x0], $0xffff;
	[tilespmem:v56+s20+$0x0] =	vst.idx.msk $0xffff, v18  }
0xf4: {  	v26 =	vor.u32 $0xD, v51;
	v6 =	vld.idx.msk [tilespmem:v57+s13+$0x0], $0xffff;
	[tilespmem:v59+s20+$0x0] =	vst.idx.msk $0xffff, v5  }
0xf5: {  	v27 =	vor.u32 $0xD, v52;
	v33 =	vadd.s32 v37, v53;
	v5 =	vld.idx.msk [tilespmem:v63+s13+$0x0], $0xffff;
	[tilespmem:v20+s20+$0x0] =	vst.idx.msk $0xffff, v11  }
0xf6: {  	v38 =	vor.u32 $0xD, v54;
	v7 =	vld.idx.msk [tilespmem:v21+s13+$0x0], $0xffff;
	[tilespmem:v22+s20+$0x0] =	vst.idx.msk $0xffff, v3  }
0xf7: {  	v39 =	vor.u32 $0xD, v60;
	v40 =	vadd.s32 v37, v32;
	[tilespmem:v62+s20+$0x0] =	vst.idx.msk $0xffff, v13;
	v2 =	vld.idx.msk [tilespmem:v23+s13+$0x0], $0xffff  }
0xf8: {  	v42 =	vadd.s32 v44, v48;
	v43 =	vor.u32 $0xD, v8;
	[tilespmem:v25+s20+$0x0] =	vst.idx.msk $0xffff, v4;
	v41 =	vld.idx.msk [tilespmem:v24+s13+$0x0], $0xffff  }
0xf9: {  	v55 =	vadd.s32 v44, v49;
	v56 =	vor.u32 $0xE, v50;
	v47 =	vld.idx.msk [tilespmem:v26+s13+$0x0], $0xffff;
	[tilespmem:v1+s20+$0x0] =	vst.idx.msk $0xffff, v6  }
0xfa: {  	v57 =	vor.u32 $0xE, v51;
	v62 =	vadd.s32 v44, v58;
	[tilespmem:v33+s20+$0x0] =	vst.idx.msk $0xffff, v5;
	v59 =	vld.idx.msk [tilespmem:v27+s13+$0x0], $0xffff  }
0xfb: {  	v20 =	vadd.s32 v44, v53;
	v21 =	vor.u32 $0xE, v52;
	v63 =	vld.idx.msk [tilespmem:v38+s13+$0x0], $0xffff;
	[tilespmem:v0+s20+$0x0] =	vst.idx.msk $0xffff, v7  }
0xfc: {  	v22 =	vor.u32 $0xE, v54;
	v24 =	vadd.s32 v44, v61;
	[tilespmem:v40+s20+$0x0] =	vst.idx.msk $0xffff, v2;
	v23 =	vld.idx.msk [tilespmem:v39+s13+$0x0], $0xffff  }
0xfd: {  	v26 =	vadd.s32 v44, v32;
	v27 =	vor.u32 $0xE, v60;
	[tilespmem:v42+s20+$0x0] =	vst.idx.msk $0xffff, v41;
	v25 =	vld.idx.msk [tilespmem:v43+s13+$0x0], $0xffff  }
0xfe: {  	v37 =	vor.u32 $0xE, v8;
	v33 =	vadd.s32 v45, v48;
	[tilespmem:v55+s20+$0x0] =	vst.idx.msk $0xffff, v47;
	v12 =	vld.idx.msk [tilespmem:v56+s13+$0x0], $0xffff  }
0xff: {  	v38 =	vadd.s32 v45, v49;
	v1 =	vld.idx.msk [tilespmem:v57+s13+$0x0], $0xffff;
	v39 =	vor.u32 $0xF, v50;
	[tilespmem:v62+s20+$0x0] =	vst.idx.msk $0xffff, v59  }
0x100: {  	v41 =	vadd.s32 v45, v58;
	v40 =	vor.u32 $0xF, v51;
	[tilespmem:v20+s20+$0x0] =	vst.idx.msk $0xffff, v63;
	v6 =	vld.idx.msk [tilespmem:v21+s13+$0x0], $0xffff  }
0x101: {  	v42 =	vadd.s32 v45, v53;
	v43 =	vor.u32 $0xF, v52;
	v0 =	vld.idx.msk [tilespmem:v22+s13+$0x0], $0xffff;
	[tilespmem:v24+s20+$0x0] =	vst.idx.msk $0xffff, v23  }
0x102: {  	v44 =	vor.u32 $0xF, v54;
	v47 =	vadd.s32 v45, v61;
	[tilespmem:v26+s20+$0x0] =	vst.idx.msk $0xffff, v25;
	v3 =	vld.idx.msk [tilespmem:v27+s13+$0x0], $0xffff  }
0x103: {  	v50 =	vadd.s32 v45, v32;
	v51 =	vor.u32 $0xF, v60;
	[tilespmem:v33+s20+$0x0] =	vst.idx.msk $0xffff, v12;
	v7 =	vld.idx.msk [tilespmem:v37+s13+$0x0], $0xffff  }
0x104: {  	v54 =	vadd.s32 v46, v48;
	v55 =	vor.u32 $0xF, v8;
	[tilespmem:v38+s20+$0x0] =	vst.idx.msk $0xffff, v1;
	v52 =	vld.idx.msk [tilespmem:v39+s13+$0x0], $0xffff  }
0x105: {  	v56 =	vadd.s32 v46, v49;
	v5 =	vld.idx.msk [tilespmem:v40+s13+$0x0], $0xffff;
	[tilespmem:v41+s20+$0x0] =	vst.idx.msk $0xffff, v6  }
0x106: {  	v59 =	vadd.s32 v46, v58;
	[tilespmem:v42+s20+$0x0] =	vst.idx.msk $0xffff, v0;
	v57 =	vld.idx.msk [tilespmem:v43+s13+$0x0], $0xffff  }
0x107: {  	v60 =	vadd.s32 v46, v53;
	v2 =	vld.idx.msk [tilespmem:v44+s13+$0x0], $0xffff;
	[tilespmem:v47+s20+$0x0] =	vst.idx.msk $0xffff, v3  }
0x108: {  	v61 =	vadd.s32 v46, v61;
	[tilespmem:v50+s20+$0x0] =	vst.idx.msk $0xffff, v7;
	v3 =	vld.idx.msk [tilespmem:v51+s13+$0x0], $0xffff  }
0x109: {  	v63 =	vadd.s32 v46, v32;
	[tilespmem:v54+s20+$0x0] =	vst.idx.msk $0xffff, v52;
	v62 =	vld.idx.msk [tilespmem:v55+s13+$0x0], $0xffff  }
0x10a: {  	[tilespmem:v56+s20+$0x0] =	vst.idx.msk $0xffff, v5  }
0x10b: {  	[tilespmem:v59+s20+$0x0] =	vst.idx.msk $0xffff, v57  }
0x10c: {  	[tilespmem:v60+s20+$0x0] =	vst.idx.msk $0xffff, v2  }
0x10d: {  	[tilespmem:v61+s20+$0x0] =	vst.idx.msk $0xffff, v3  }
0x10e: {  	s28 =	simm.s32 $0x0;
	s29 =	simm.s32 $0xAA00;
	[tilespmem:v63+s20+$0x0] =	vst.idx.msk $0xffff, v62  }
.LBB2_4:
0x10f: {  	p0 =	sne.s32 s28, $0x1FF0  }
.Ltmp1:
0x110: {  	_ = 	snop;
	(pc) =	sbr.rel @p0 .LBB2_4-.Ltmp1, $4  }
0x111: {  	_ = 	snop  }
0x112: {  	s30 =	sadd.s32 s28, s8  }
0x113: {  	[hbm4b:s30+s2] =	stream.linear.scatter [tilespmem:s29], [sflag:$0x4], $0x10, $0x38;
	[tilespmem:$0x10BE0] =	vst v63  }
0x114: {  	s28 =	sadd.s32 $0x10, s28;
	s29 =	sadd.s32 $0x30, s29  }
0x115: {  	s28 =	simm.s32 $0x410  }
0x116: {  	v0 =	vld [tilespmem:s28+$0x0];
	_ =	sdelay $0x3  }
0x117: {  	v1 =	vld [tilespmem:s28+$0xFFFFFFF0];
	s28 =	simm.s32 $0x10  }
0x118: {  	v43 =	vld [tilespmem:$0x1FD60];
	v56 =	vshll.u32 v0, $0x4;
	v0 =	vmov s28  }
0x119: {  	v0 =	vmul.u32 $0x30, v0;
	_ =	sdelay $0x1  }
0x11a: {  	v59 =	vbroadcast v0, $0x0;
	_ =	sdelay $0x1  }
0x11b: {  	v57 =	vshll.u32 v1, $0x4;
	v1 =	vld.idx.msk [tilespmem:v56+s13+$0x0], $0xffff;
	v2 =	vadd.s32 v43, v59;
	_ =	sdelay $0x3  }
0x11c: {  	s28 =	simm.s32 $0x0  }
0x11d: {  	v0 =	vmov s28;
	[tilespmem:v2+s20+$0x0] =	vst.idx.msk $0xffff, v1  }
0x11e: {  	v3 =	vor.u32 $0x1, v56;
	v0 =	vmul.u32 $0x30, v0;
	v45 =	vld [tilespmem:$0x1FD70];
	_ =	sdelay $0x1  }
0x11f: {  	v55 =	vbroadcast v0, $0x0;
	_ =	sdelay $0x1  }
0x120: {  	v0 =	vld.idx.msk [tilespmem:v57+s13+$0x0], $0xffff;
	v4 =	vadd.s32 v43, v55  }
0x121: {  	v1 =	vld.idx.msk [tilespmem:v3+s13+$0x0], $0xffff;
	v2 =	vadd.s32 v45, v59;
	_ =	sdelay $0x3  }
0x122: {  	[tilespmem:v4+s20+$0x0] =	vst.idx.msk $0xffff, v0  }
0x123: {  	v5 =	vor.u32 $0x1, v57;
	[tilespmem:v2+s20+$0x0] =	vst.idx.msk $0xffff, v1  }
0x124: {  	v3 =	vor.u32 $0x2, v56;
	v46 =	vld [tilespmem:$0x1FD80];
	_ =	sdelay $0x3  }
0x125: {  	v0 =	vld.idx.msk [tilespmem:v5+s13+$0x0], $0xffff;
	v4 =	vadd.s32 v45, v55  }
0x126: {  	v1 =	vld.idx.msk [tilespmem:v3+s13+$0x0], $0xffff;
	v2 =	vadd.s32 v46, v59;
	_ =	sdelay $0x3  }
0x127: {  	[tilespmem:v4+s20+$0x0] =	vst.idx.msk $0xffff, v0  }
0x128: {  	v5 =	vor.u32 $0x2, v57;
	[tilespmem:v2+s20+$0x0] =	vst.idx.msk $0xffff, v1  }
0x129: {  	v3 =	vor.u32 $0x3, v56;
	v32 =	vld [tilespmem:$0x1FEF0];
	_ =	sdelay $0x3  }
0x12a: {  	v0 =	vld.idx.msk [tilespmem:v5+s13+$0x0], $0xffff;
	v4 =	vadd.s32 v46, v55  }
0x12b: {  	v1 =	vld.idx.msk [tilespmem:v3+s13+$0x0], $0xffff;
	v2 =	vadd.s32 v32, v59;
	_ =	sdelay $0x3  }
0x12c: {  	[tilespmem:v4+s20+$0x0] =	vst.idx.msk $0xffff, v0  }
0x12d: {  	v6 =	vor.u32 $0x3, v57;
	[tilespmem:v2+s20+$0x0] =	vst.idx.msk $0xffff, v1  }
0x12e: {  	v3 =	vor.u32 $0x4, v56;
	v37 =	vld [tilespmem:$0x1FD90]  }
0x12f: {  	s28 =	simm.s32 $0x430  }
0x130: {  	v7 =	vld [tilespmem:s28+$0x0]  }
0x131: {  	v5 =	vld [tilespmem:s28+$0xFFFFFFF0]  }
0x132: {  	v0 =	vld.idx.msk [tilespmem:v6+s13+$0x0], $0xffff;
	v4 =	vadd.s32 v32, v55  }
0x133: {  	v2 =	vld.idx.msk [tilespmem:v3+s13+$0x0], $0xffff;
	v3 =	vadd.s32 v37, v59;
	_ =	sdelay $0x1  }
0x134: {  	s28 =	simm.s32 $0x20  }
0x135: {  	v51 =	vshll.u32 v5, $0x4;
	v5 =	vmov s28  }
0x136: {  	s28 =	simm.s32 $0x30;
	v5 =	vmul.u32 $0x30, v5;
	v6 =	vor.u32 $0x4, v57;
	[tilespmem:v4+s20+$0x0] =	vst.idx.msk $0xffff, v0  }
0x137: {  	v50 =	vshll.u32 v7, $0x4;
	v1 =	vmov s28;
	[tilespmem:v3+s20+$0x0] =	vst.idx.msk $0xffff, v2  }
0x138: {  	v49 =	vbroadcast v5, $0x0;
	v5 =	vor.u32 $0x5, v56;
	v1 =	vmul.u32 $0x30, v1;
	v41 =	vld [tilespmem:$0x1FDA0];
	_ =	sdelay $0x1  }
0x139: {  	v0 =	vld.idx.msk [tilespmem:v51+s13+$0x0], $0xffff;
	v4 =	vadd.s32 v43, v49;
	v48 =	vbroadcast v1, $0x0  }
0x13a: {  	v1 =	vld.idx.msk [tilespmem:v6+s13+$0x0], $0xffff;
	v6 =	vadd.s32 v37, v55  }
0x13b: {  	v9 =	vld.idx.msk [tilespmem:v50+s13+$0x0], $0xffff;
	v10 =	vadd.s32 v43, v48  }
0x13c: {  	v3 =	vld.idx.msk [tilespmem:v5+s13+$0x0], $0xffff;
	v5 =	vadd.s32 v41, v59;
	_ =	sdelay $0x1  }
0x13d: {  	[tilespmem:v4+s20+$0x0] =	vst.idx.msk $0xffff, v0  }
0x13e: {  	v7 =	vor.u32 $0x1, v51;
	[tilespmem:v6+s20+$0x0] =	vst.idx.msk $0xffff, v1  }
0x13f: {  	v8 =	vor.u32 $0x5, v57;
	[tilespmem:v10+s20+$0x0] =	vst.idx.msk $0xffff, v9  }
0x140: {  	v2 =	vor.u32 $0x1, v50;
	[tilespmem:v5+s20+$0x0] =	vst.idx.msk $0xffff, v3  }
0x141: {  	v0 =	vor.u32 $0x6, v56;
	v42 =	vld [tilespmem:$0x1FDB0];
	_ =	sdelay $0x1  }
0x142: {  	v4 =	vadd.s32 v45, v49;
	v1 =	vld.idx.msk [tilespmem:v7+s13+$0x0], $0xffff  }
0x143: {  	v6 =	vld.idx.msk [tilespmem:v8+s13+$0x0], $0xffff;
	v7 =	vadd.s32 v41, v55  }
0x144: {  	v2 =	vld.idx.msk [tilespmem:v2+s13+$0x0], $0xffff;
	v3 =	vadd.s32 v45, v48  }
0x145: {  	v0 =	vld.idx.msk [tilespmem:v0+s13+$0x0], $0xffff;
	v11 =	vadd.s32 v42, v59;
	_ =	sdelay $0x1  }
0x146: {  	[tilespmem:v4+s20+$0x0] =	vst.idx.msk $0xffff, v1  }
0x147: {  	v8 =	vor.u32 $0x2, v51;
	[tilespmem:v7+s20+$0x0] =	vst.idx.msk $0xffff, v6  }
0x148: {  	v10 =	vor.u32 $0x6, v57;
	[tilespmem:v3+s20+$0x0] =	vst.idx.msk $0xffff, v2  }
0x149: {  	v5 =	vor.u32 $0x2, v50;
	[tilespmem:v11+s20+$0x0] =	vst.idx.msk $0xffff, v0  }
0x14a: {  	s28 =	simm.s32 $0x450;
	v1 =	vor.u32 $0x7, v56;
	v28 =	vld [tilespmem:$0x1FDC0]  }
0x14b: {  	v12 =	vld [tilespmem:s28+$0xFFFFFFF0]  }
0x14c: {  	v6 =	vadd.s32 v46, v49;
	v4 =	vld.idx.msk [tilespmem:v8+s13+$0x0], $0xffff  }
0x14d: {  	v7 =	vld.idx.msk [tilespmem:v10+s13+$0x0], $0xffff;
	v8 =	vadd.s32 v42, v55  }
0x14e: {  	v2 =	vld.idx.msk [tilespmem:v5+s13+$0x0], $0xffff;
	v0 =	vadd.s32 v46, v48  }
0x14f: {  	v10 =	vor.u32 $0x3, v51;
	v1 =	vld.idx.msk [tilespmem:v1+s13+$0x0], $0xffff;
	v5 =	vadd.s32 v28, v59;
	_ =	sdelay $0x1  }
0x150: {  	[tilespmem:v6+s20+$0x0] =	vst.idx.msk $0xffff, v4  }
0x151: {  	v13 =	vor.u32 $0x7, v57;
	[tilespmem:v8+s20+$0x0] =	vst.idx.msk $0xffff, v7  }
0x152: {  	v9 =	vld [tilespmem:s28+$0x0];
	s28 =	simm.s32 $0x40;
	v3 =	vor.u32 $0x3, v50;
	[tilespmem:v0+s20+$0x0] =	vst.idx.msk $0xffff, v2  }
0x153: {  	v54 =	vshll.u32 v12, $0x4;
	v7 =	vadd.s32 v32, v49;
	v8 =	vmov s28;
	v6 =	vld.idx.msk [tilespmem:v10+s13+$0x0], $0xffff;
	[tilespmem:v5+s20+$0x0] =	vst.idx.msk $0xffff, v1  }
0x154: {  	v4 =	vor.u32 $0x8, v56;
	v8 =	vmul.u32 $0x30, v8;
	v29 =	vld [tilespmem:$0x1FDD0];
	_ =	sdelay $0x1  }
0x155: {  	v10 =	vld.idx.msk [tilespmem:v13+s13+$0x0], $0xffff;
	v53 =	vbroadcast v8, $0x0;
	v11 =	vadd.s32 v28, v55  }
0x156: {  	v0 =	vld.idx.msk [tilespmem:v3+s13+$0x0], $0xffff;
	v1 =	vadd.s32 v32, v48  }
0x157: {  	v5 =	vld.idx.msk [tilespmem:v54+s13+$0x0], $0xffff;
	[tilespmem:v7+s20+$0x0] =	vst.idx.msk $0xffff, v6;
	v6 =	vadd.s32 v43, v53  }
0x158: {  	v52 =	vshll.u32 v9, $0x4;
	v9 =	vor.u32 $0x4, v51;
	v2 =	vld.idx.msk [tilespmem:v4+s13+$0x0], $0xffff;
	v4 =	vadd.s32 v29, v59;
	_ =	sdelay $0x1  }
0x159: {  	v12 =	vor.u32 $0x8, v57;
	[tilespmem:v11+s20+$0x0] =	vst.idx.msk $0xffff, v10  }
0x15a: {  	v3 =	vor.u32 $0x4, v50;
	[tilespmem:v1+s20+$0x0] =	vst.idx.msk $0xffff, v0  }
0x15b: {  	v7 =	vor.u32 $0x9, v56;
	[tilespmem:v6+s20+$0x0] =	vst.idx.msk $0xffff, v5  }
0x15c: {  	v10 =	vor.u32 $0x1, v54;
	v8 =	vld.idx.msk [tilespmem:v9+s13+$0x0], $0xffff;
	v9 =	vadd.s32 v37, v49;
	[tilespmem:v4+s20+$0x0] =	vst.idx.msk $0xffff, v2  }
0x15d: {  	v30 =	vld [tilespmem:$0x1FDE0]  }
0x15e: {  	v12 =	vld.idx.msk [tilespmem:v12+s13+$0x0], $0xffff  }
0x15f: {  	v14 =	vadd.s32 v29, v55;
	v1 =	vld.idx.msk [tilespmem:v3+s13+$0x0], $0xffff  }
0x160: {  	v2 =	vadd.s32 v37, v48;
	v4 =	vld.idx.msk [tilespmem:v7+s13+$0x0], $0xffff  }
0x161: {  	[tilespmem:v9+s20+$0x0] =	vst.idx.msk $0xffff, v8;
	v7 =	vld.idx.msk [tilespmem:v10+s13+$0x0], $0xffff;
	v8 =	vadd.s32 v45, v53  }
0x162: {  	v11 =	vor.u32 $0x5, v51;
	v6 =	vadd.s32 v30, v59  }
0x163: {  	s29 =	simm.s32 $0x50  }
0x164: {  	v16 =	vor.u32 $0x9, v57;
	v0 =	vmov s29;
	[tilespmem:v14+s20+$0x0] =	vst.idx.msk $0xffff, v12  }
0x165: {  	v0 =	vmul.u32 $0x30, v0;
	v40 =	vld [tilespmem:$0x1FE00];
	[tilespmem:v2+s20+$0x0] =	vst.idx.msk $0xffff, v1  }
0x166: {  	v13 =	vld.idx.msk [tilespmem:v52+s13+$0x0], $0xffff;
	v5 =	vor.u32 $0x5, v50;
	[tilespmem:v8+s20+$0x0] =	vst.idx.msk $0xffff, v7  }
0x167: {  	v58 =	vbroadcast v0, $0x0;
	v10 =	vadd.s32 v41, v49;
	v0 =	vld.idx.msk [tilespmem:v11+s13+$0x0], $0xffff;
	v11 =	vor.u32 $0x2, v54;
	[tilespmem:v6+s20+$0x0] =	vst.idx.msk $0xffff, v4  }
0x168: {  	v9 =	vor.u32 $0xA, v56;
	v44 =	vld [tilespmem:$0x1FDF0]  }
0x169: {  	s28 =	simm.s32 $0x470;
	v14 =	vld.idx.msk [tilespmem:v16+s13+$0x0], $0xffff;
	v16 =	vadd.s32 v30, v55  }
0x16a: {  	v18 =	vld [tilespmem:s28+$0x0];
	v17 =	vadd.s32 v43, v58  }
0x16b: {  	v2 =	vld.idx.msk [tilespmem:v5+s13+$0x0], $0xffff;
	v4 =	vadd.s32 v41, v48  }
0x16c: {  	v12 =	vor.u32 $0x6, v51;
	v8 =	vadd.s32 v46, v53;
	[tilespmem:v10+s20+$0x0] =	vst.idx.msk $0xffff, v0;
	v0 =	vld.idx.msk [tilespmem:v11+s13+$0x0], $0xffff  }
0x16d: {  	v19 =	vor.u32 $0xA, v57;
	v5 =	vld.idx.msk [tilespmem:v9+s13+$0x0], $0xffff;
	v7 =	vadd.s32 v44, v59  }
0x16e: {  	[tilespmem:v16+s20+$0x0] =	vst.idx.msk $0xffff, v14  }
0x16f: {  	v1 =	vor.u32 $0x1, v52;
	[tilespmem:v17+s20+$0x0] =	vst.idx.msk $0xffff, v13  }
0x170: {  	v15 =	vld [tilespmem:s28+$0xFFFFFFF0];
	v6 =	vor.u32 $0x6, v50;
	[tilespmem:v4+s20+$0x0] =	vst.idx.msk $0xffff, v2  }
0x171: {  	s29 =	simm.s32 $0x70;
	v11 =	vor.u32 $0x3, v54;
	v10 =	vld.idx.msk [tilespmem:v12+s13+$0x0], $0xffff;
	[tilespmem:v8+s20+$0x0] =	vst.idx.msk $0xffff, v0  }
0x172: {  	v60 =	vshll.u32 v18, $0x4;
	v14 =	vadd.s32 v42, v49;
	v16 =	vmov s29;
	v12 =	vld.idx.msk [tilespmem:v19+s13+$0x0], $0xffff;
	[tilespmem:v7+s20+$0x0] =	vst.idx.msk $0xffff, v5  }
0x173: {  	v9 =	vor.u32 $0xB, v56;
	v2 =	vmul.u32 $0x30, v16;
	v13 =	vadd.s32 v44, v55;
	v38 =	vld [tilespmem:$0x1FF00]  }
0x174: {  	v17 =	vld.idx.msk [tilespmem:v1+s13+$0x0], $0xffff;
	v1 =	vor.u32 $0xB, v57;
	v16 =	vadd.s32 v45, v58  }
0x175: {  	v20 =	vadd.s32 v42, v48;
	v18 =	vor.u32 $0x7, v51;
	v6 =	vld.idx.msk [tilespmem:v6+s13+$0x0], $0xffff;
	v61 =	vbroadcast v2, $0x0  }
0x176: {  	v25 =	vadd.s32 v32, v53;
	v19 =	vor.u32 $0x2, v52;
	v11 =	vld.idx.msk [tilespmem:v11+s13+$0x0], $0xffff  }
0x177: {  	v23 =	vor.u32 $0x7, v50;
	v24 =	vld.idx.msk [tilespmem:v60+s13+$0x0], $0xffff;
	[tilespmem:v14+s20+$0x0] =	vst.idx.msk $0xffff, v10;
	v10 =	vadd.s32 v43, v61  }
0x178: {  	v27 =	vor.u32 $0x4, v54;
	v21 =	vld.idx.msk [tilespmem:v9+s13+$0x0], $0xffff;
	[tilespmem:v13+s20+$0x0] =	vst.idx.msk $0xffff, v12;
	v22 =	vadd.s32 v38, v59  }
0x179: {  	v26 =	vor.u32 $0xC, v56;
	[tilespmem:v16+s20+$0x0] =	vst.idx.msk $0xffff, v17;
	v7 =	vld.idx.msk [tilespmem:v1+s13+$0x0], $0xffff  }
0x17a: {  	[tilespmem:v20+s20+$0x0] =	vst.idx.msk $0xffff, v6;
	v9 =	vld.idx.msk [tilespmem:v18+s13+$0x0], $0xffff  }
0x17b: {  	v8 =	vshll.u32 v15, $0x4;
	[tilespmem:v25+s20+$0x0] =	vst.idx.msk $0xffff, v11;
	v15 =	vld.idx.msk [tilespmem:v19+s13+$0x0], $0xffff  }
0x17c: {  	v3 =	vadd.s32 v40, v59;
	v62 =	vadd.s32 v40, v48;
	v14 =	vld.idx.msk [tilespmem:v23+s13+$0x0], $0xffff;
	[tilespmem:v10+s20+$0x0] =	vst.idx.msk $0xffff, v24  }
0x17d: {  	v4 =	vor.u32 $0x8, v51;
	v2 =	vor.u32 $0x8, v54;
	v0 =	vadd.s32 v40, v61;
	v10 =	vld.idx.msk [tilespmem:v27+s13+$0x0], $0xffff;
	[tilespmem:v22+s20+$0x0] =	vst.idx.msk $0xffff, v21  }
0x17e: {  	s30 =	simm.s32 $0x60;
	v5 =	vor.u32 $0x8, v8;
	v6 =	vor.u32 $0x1, v60;
	v12 =	vor.u32 $0xC, v57;
	v11 =	vld.idx.msk [tilespmem:v26+s13+$0x0], $0xffff  }
0x17f: {  	v16 =	vmov s30;
	v20 =	vor.u32 $0x3, v52;
	v17 =	vadd.s32 v28, v48;
	v33 =	vld [tilespmem:$0x1FE10]  }
0x180: {  	v1 =	vadd.s32 v40, v58;
	v18 =	vadd.s32 v46, v58;
	v13 =	vadd.s32 v38, v55;
	v47 =	vld [tilespmem:$0x1FE20]  }
0x181: {  	v63 =	vmovc v8;
	s30 =	simm.s32 $0x6;
	v19 =	vadd.s32 v28, v49;
	v21 =	vmul.u32 $0x30, v16;
	v16 =	vor.u32 $0x8, v50;
	v39 =	vld [tilespmem:$0x1FE30]  }
.LBB2_6:
0x182: {  	_ =	sdelay $0x2  }
0x183: {  	v8 =	vld.idx.msk [tilespmem:v8+s13+$0x0], $0xffff;
	[tilespmem:v13+s20+$0x0] =	vst.idx.msk $0xffff, v7;
	v13 =	vadd.s32 v37, v53;
	v7 =	vbroadcast v21, $0x0  }
0x184: {  	s28 =	sadd.s32 $0x20, s28;
	v12 =	vld.idx.msk [tilespmem:v12+s13+$0x0], $0xffff;
	[tilespmem:v18+s20+$0x0] =	vst.idx.msk $0xffff, v15;
	v15 =	vadd.s32 v40, v55  }
0x185: {  	v21 =	vor.u32 $0xD, v56;
	v22 =	vld [tilespmem:s28+$0xFFFFFFF0];
	[tilespmem:v19+s20+$0x0] =	vst.idx.msk $0xffff, v9;
	v18 =	vadd.s32 v43, v7  }
0x186: {  	v20 =	vld.idx.msk [tilespmem:v20+s13+$0x0], $0xffff;
	[tilespmem:v17+s20+$0x0] =	vst.idx.msk $0xffff, v14;
	v14 =	vor.u32 $0xD, v57  }
0x187: {  	v23 =	vadd.s32 v32, v58;
	v17 =	vor.u32 $0x5, v54;
	v9 =	vld.idx.msk [tilespmem:v16+s13+$0x0], $0xffff;
	[tilespmem:v3+s20+$0x0] =	vst.idx.msk $0xffff, v11  }
0x188: {  	v19 =	vld.idx.msk [tilespmem:v4+s13+$0x0], $0xffff;
	v16 =	vor.u32 $0x4, v52;
	v24 =	vadd.s32 v29, v48;
	[tilespmem:v13+s20+$0x0] =	vst.idx.msk $0xffff, v10  }
0x189: {  	v11 =	vld [tilespmem:s28+$0x0];
	v10 =	vadd.s32 v29, v49;
	v13 =	vor.u32 $0x9, v50;
	[tilespmem:v15+s20+$0x0] =	vst.idx.msk $0xffff, v12  }
0x18a: {  	v4 =	vmov v2;
	v12 =	vld.idx.msk [tilespmem:v21+s13+$0x0], $0xffff;
	[tilespmem:v18+s20+$0x0] =	vst.idx.msk $0xffff, v8  }
0x18b: {  	v2 =	vmovc v5;
	v5 =	vor.u32 $0x1, v63;
	v3 =	vmovc v62;
	v62 =	vmov v1;
	v15 =	vadd.s32 v33, v59;
	v14 =	vld.idx.msk [tilespmem:v14+s13+$0x0], $0xffff  }
0x18c: {  	v1 =	vmov v0;
	v8 =	vor.u32 $0x9, v51;
	[tilespmem:v23+s20+$0x0] =	vst.idx.msk $0xffff, v20;
	v0 =	vld.idx.msk [tilespmem:v17+s13+$0x0], $0xffff;
	v17 =	vadd.s32 v33, v55  }
0x18d: {  	v18 =	vor.u32 $0xE, v56;
	v23 =	vadd.s32 v37, v58;
	v16 =	vld.idx.msk [tilespmem:v16+s13+$0x0], $0xffff;
	[tilespmem:v24+s20+$0x0] =	vst.idx.msk $0xffff, v9  }
0x18e: {  	v20 =	vadd.s32 v41, v53;
	[tilespmem:v10+s20+$0x0] =	vst.idx.msk $0xffff, v19;
	v10 =	vld.idx.msk [tilespmem:v13+s13+$0x0], $0xffff;
	v13 =	vor.u32 $0x5, v52  }
0x18f: {  	v9 =	vor.u32 $0xE, v57  }
0x190: {  	v21 =	vor.u32 $0x6, v54;
	v19 =	vadd.s32 v30, v48;
	v5 =	vld.idx.msk [tilespmem:v5+s13+$0x0], $0xffff;
	[tilespmem:v15+s20+$0x0] =	vst.idx.msk $0xffff, v12  }
0x191: {  	v25 =	vor.u32 $0xA, v50;
	v24 =	vadd.s32 v45, v7;
	v8 =	vld.idx.msk [tilespmem:v8+s13+$0x0], $0xffff;
	[tilespmem:v17+s20+$0x0] =	vst.idx.msk $0xffff, v14  }
0x192: {  	v12 =	vor.u32 $0x2, v63;
	v15 =	vadd.s32 v30, v49;
	v14 =	vld.idx.msk [tilespmem:v18+s13+$0x0], $0xffff;
	[tilespmem:v23+s20+$0x0] =	vst.idx.msk $0xffff, v16  }
0x193: {  	v17 =	vadd.s32 v47, v59;
	[tilespmem:v20+s20+$0x0] =	vst.idx.msk $0xffff, v0;
	v0 =	vor.u32 $0xA, v51;
	v13 =	vld.idx.msk [tilespmem:v13+s13+$0x0], $0xffff  }
0x194: {  	v16 =	vadd.s32 v47, v55;
	v20 =	vor.u32 $0xF, v56;
	v9 =	vld.idx.msk [tilespmem:v9+s13+$0x0], $0xffff  }
0x195: {  	v56 =	vmov v50;
	[tilespmem:v19+s20+$0x0] =	vst.idx.msk $0xffff, v10;
	v10 =	vor.u32 $0xF, v57;
	v18 =	vld.idx.msk [tilespmem:v21+s13+$0x0], $0xffff;
	v21 =	vadd.s32 v42, v53  }
0x196: {  	v50 =	vmov v52;
	v19 =	vadd.s32 v41, v58;
	v52 =	vmov v60;
	[tilespmem:v24+s20+$0x0] =	vst.idx.msk $0xffff, v5;
	v23 =	vld.idx.msk [tilespmem:v25+s13+$0x0], $0xffff  }
0x197: {  	v60 =	vshll.u32 v11, $0x4;
	v11 =	vld.idx.msk [tilespmem:v12+s13+$0x0], $0xffff;
	v12 =	vor.u32 $0x6, v50;
	[tilespmem:v15+s20+$0x0] =	vst.idx.msk $0xffff, v8;
	v15 =	vadd.s32 v44, v48  }
0x198: {  	v24 =	vor.u32 $0xB, v56;
	v8 =	vshll.u32 v22, $0x4;
	v22 =	vadd.s32 v46, v7;
	[tilespmem:v17+s20+$0x0] =	vst.idx.msk $0xffff, v14;
	v0 =	vld.idx.msk [tilespmem:v0+s13+$0x0], $0xffff  }
0x199: {  	v14 =	vor.u32 $0x3, v63;
	v17 =	vadd.s32 v44, v49;
	[tilespmem:v16+s20+$0x0] =	vst.idx.msk $0xffff, v9;
	v9 =	vld.idx.msk [tilespmem:v20+s13+$0x0], $0xffff  }
0x19a: {  	s29 =	sadd.s32 $0x20, s29;
	v57 =	vmov v51;
	[tilespmem:v21+s20+$0x0] =	vst.idx.msk $0xffff, v18;
	v18 =	vadd.s32 v39, v59;
	v21 =	vld.idx.msk [tilespmem:v6+s13+$0x0], $0xffff  }
0x19b: {  	v16 =	vadd.s32 v39, v55;
	v20 =	vmov s29;
	[tilespmem:v19+s20+$0x0] =	vst.idx.msk $0xffff, v13;
	v13 =	vor.u32 $0xB, v57;
	v10 =	vld.idx.msk [tilespmem:v10+s13+$0x0], $0xffff  }
0x19c: {  	v25 =	vor.u32 $0x7, v54;
	v6 =	vmul.u32 $0x30, v20;
	v20 =	vadd.s32 v45, v61;
	v12 =	vld.idx.msk [tilespmem:v12+s13+$0x0], $0xffff;
	[tilespmem:v15+s20+$0x0] =	vst.idx.msk $0xffff, v23  }
0x19d: {  	v55 =	vmov v49;
	[tilespmem:v22+s20+$0x0] =	vst.idx.msk $0xffff, v11;
	v11 =	vor.u32 $0x2, v52;
	v23 =	vld.idx.msk [tilespmem:v24+s13+$0x0], $0xffff  }
0x19e: {  	v49 =	vmov v53;
	v53 =	vmov v7;
	v22 =	vadd.s32 v42, v58;
	v26 =	vld.idx.msk [tilespmem:v14+s13+$0x0], $0xffff;
	[tilespmem:v17+s20+$0x0] =	vst.idx.msk $0xffff, v0  }
0x19f: {  	v19 =	vadd.s32 v38, v48;
	v24 =	vbroadcast v6, $0x0;
	v14 =	vor.u32 $0x7, v50;
	v27 =	vld.idx.msk [tilespmem:v60+s13+$0x0], $0xffff;
	[tilespmem:v18+s20+$0x0] =	vst.idx.msk $0xffff, v9  }
0x1a0: {  	v28 =	vor.u32 $0xC, v56;
	v17 =	vadd.s32 v32, v53;
	v7 =	vld.idx.msk [tilespmem:v13+s13+$0x0], $0xffff;
	[tilespmem:v16+s20+$0x0] =	vst.idx.msk $0xffff, v10  }
0x1a1: {  	v29 =	vadd.s32 v43, v24;
	[tilespmem:v20+s20+$0x0] =	vst.idx.msk $0xffff, v21;
	v9 =	vld.idx.msk [tilespmem:v25+s13+$0x0], $0xffff  }
0x1a2: {  	s30 =	sadd.s32 $0x2, s30;
	v30 =	vor.u32 $0x4, v63;
	v15 =	vld.idx.msk [tilespmem:v11+s13+$0x0], $0xffff  }
0x1a3: {  	p0 =	slt.u32 s30, $0x1E;
	[tilespmem:v22+s20+$0x0] =	vst.idx.msk $0xffff, v12;
	v25 =	vld [tilespmem:$0x1FDC0]  }
.Ltmp2:
0x1a4: {  	v51 =	vmov v54;
	v54 =	vmov v63;
	v14 =	vld.idx.msk [tilespmem:v14+s13+$0x0], $0xffff;
	[tilespmem:v19+s20+$0x0] =	vst.idx.msk $0xffff, v23;
	(pc) =	sbr.rel @p0 .LBB2_6-.Ltmp2, $4  }
0x1a5: {  	s31 =	sadd.s32 $0xFFFFFFF0, s29;
	v5 =	vor.u32 $0x8, v8;
	v6 =	vor.u32 $0x1, v60;
	v0 =	vadd.s32 v40, v24;
	[tilespmem:v17+s20+$0x0] =	vst.idx.msk $0xffff, v26;
	v11 =	vld.idx.msk [tilespmem:v28+s13+$0x0], $0xffff  }
0x1a6: {  	v63 =	vmovc v8;
	v13 =	vadd.s32 v38, v55;
	v18 =	vadd.s32 v46, v61;
	v10 =	vmov s31;
	[tilespmem:v29+s20+$0x0] =	vst.idx.msk $0xffff, v27;
	v29 =	vld [tilespmem:$0x1FDD0]  }
0x1a7: {  	v59 =	vmovc v48;
	v48 =	vmovc v58;
	v20 =	vor.u32 $0x3, v52;
	v16 =	vor.u32 $0x8, v50;
	v21 =	vmul.u32 $0x30, v10;
	v10 =	vld.idx.msk [tilespmem:v30+s13+$0x0], $0xffff  }
0x1a8: {  	v58 =	vmovc v61;
	v61 =	vmovc v24;
	v12 =	vor.u32 $0xC, v57;
	v30 =	vld [tilespmem:$0x1FDE0];
	v17 =	vadd.s32 v25, v48;
	v19 =	vadd.s32 v25, v49  }
0x1a9: {  	_ =	sdelay $0x1  }
0x1aa: {  	v26 =	vbroadcast v21, $0x0;
	_ =	sdelay $0x1  }
0x1ab: {  	v8 =	vld.idx.msk [tilespmem:v8+s13+$0x0], $0xffff;
	v21 =	vadd.s32 v43, v26  }
0x1ac: {  	v22 =	vor.u32 $0x1, v63;
	_ =	sdelay $0x2  }
0x1ad: {  	v6 =	vld.idx.msk [tilespmem:v6+s13+$0x0], $0xffff;
	v43 =	vadd.s32 v45, v61  }
0x1ae: {  	v23 =	vor.u32 $0x2, v60;
	[tilespmem:v21+s20+$0x0] =	vst.idx.msk $0xffff, v8  }
0x1af: {  	v45 =	vadd.s32 v45, v26;
	v21 =	vld.idx.msk [tilespmem:v22+s13+$0x0], $0xffff  }
0x1b0: {  	v24 =	vor.u32 $0x2, v63;
	_ =	sdelay $0x1  }
0x1b1: {  	[tilespmem:v43+s20+$0x0] =	vst.idx.msk $0xffff, v6  }
0x1b2: {  	v8 =	vadd.s32 v46, v61;
	v6 =	vld.idx.msk [tilespmem:v23+s13+$0x0], $0xffff  }
0x1b3: {  	[tilespmem:v45+s20+$0x0] =	vst.idx.msk $0xffff, v21  }
0x1b4: {  	v43 =	vadd.s32 v46, v26;
	v45 =	vor.u32 $0x3, v60;
	v21 =	vld.idx.msk [tilespmem:v24+s13+$0x0], $0xffff  }
0x1b5: {  	[tilespmem:v18+s20+$0x0] =	vst.idx.msk $0xffff, v15;
	v46 =	vor.u32 $0x3, v63  }
0x1b6: {  	v18 =	vadd.s32 v32, v58;
	v15 =	vld.idx.msk [tilespmem:v20+s13+$0x0], $0xffff  }
0x1b7: {  	[tilespmem:v8+s20+$0x0] =	vst.idx.msk $0xffff, v6;
	v6 =	vor.u32 $0x4, v52;
	_ =	sdelay $0x1  }
0x1b8: {  	v27 =	vadd.s32 v32, v61;
	v8 =	vld.idx.msk [tilespmem:v45+s13+$0x0], $0xffff;
	[tilespmem:v43+s20+$0x0] =	vst.idx.msk $0xffff, v21  }
0x1b9: {  	[tilespmem:v13+s20+$0x0] =	vst.idx.msk $0xffff, v7;
	v45 =	vadd.s32 v32, v26;
	v43 =	vld.idx.msk [tilespmem:v46+s13+$0x0], $0xffff;
	v46 =	vor.u32 $0x4, v60  }
0x1ba: {  	[tilespmem:v18+s20+$0x0] =	vst.idx.msk $0xffff, v15;
	v22 =	vor.u32 $0x4, v63  }
0x1bb: {  	[tilespmem:v19+s20+$0x0] =	vst.idx.msk $0xffff, v9;
	v9 =	vadd.s32 v37, v58;
	v6 =	vld.idx.msk [tilespmem:v6+s13+$0x0], $0xffff  }
0x1bc: {  	[tilespmem:v17+s20+$0x0] =	vst.idx.msk $0xffff, v14;
	v12 =	vld.idx.msk [tilespmem:v12+s13+$0x0], $0xffff;
	v15 =	vadd.s32 v40, v55;
	v18 =	vor.u32 $0x5, v52  }
0x1bd: {  	v23 =	vadd.s32 v37, v53;
	[tilespmem:v27+s20+$0x0] =	vst.idx.msk $0xffff, v8  }
0x1be: {  	v24 =	vadd.s32 v37, v61;
	v8 =	vor.u32 $0x5, v54;
	[tilespmem:v45+s20+$0x0] =	vst.idx.msk $0xffff, v43;
	v7 =	vld.idx.msk [tilespmem:v46+s13+$0x0], $0xffff  }
0x1bf: {  	[tilespmem:v3+s20+$0x0] =	vst.idx.msk $0xffff, v11;
	v32 =	vor.u32 $0x5, v60;
	v27 =	vadd.s32 v37, v26;
	v3 =	vld.idx.msk [tilespmem:v22+s13+$0x0], $0xffff  }
0x1c0: {  	v16 =	vld.idx.msk [tilespmem:v16+s13+$0x0], $0xffff;
	v37 =	vadd.s32 v29, v48;
	[tilespmem:v9+s20+$0x0] =	vst.idx.msk $0xffff, v6;
	v43 =	vor.u32 $0x5, v63  }
0x1c1: {  	[tilespmem:v15+s20+$0x0] =	vst.idx.msk $0xffff, v12;
	v12 =	vadd.s32 v41, v58;
	v9 =	vld.idx.msk [tilespmem:v18+s13+$0x0], $0xffff;
	v45 =	vor.u32 $0xD, v56  }
0x1c2: {  	v4 =	vld.idx.msk [tilespmem:v4+s13+$0x0], $0xffff;
	[tilespmem:v23+s20+$0x0] =	vst.idx.msk $0xffff, v10;
	v23 =	vor.u32 $0xD, v57;
	v46 =	vadd.s32 v29, v49  }
0x1c3: {  	v15 =	vadd.s32 v41, v53;
	v18 =	vor.u32 $0x6, v52;
	v8 =	vld.idx.msk [tilespmem:v8+s13+$0x0], $0xffff;
	[tilespmem:v24+s20+$0x0] =	vst.idx.msk $0xffff, v7  }
0x1c4: {  	v24 =	vor.u32 $0x6, v54;
	[tilespmem:v27+s20+$0x0] =	vst.idx.msk $0xffff, v3;
	v3 =	vld.idx.msk [tilespmem:v32+s13+$0x0], $0xffff;
	v27 =	vadd.s32 v41, v61  }
0x1c5: {  	v13 =	vadd.s32 v41, v26;
	[tilespmem:v37+s20+$0x0] =	vst.idx.msk $0xffff, v16;
	v32 =	vor.u32 $0x6, v60;
	v10 =	vld.idx.msk [tilespmem:v43+s13+$0x0], $0xffff  }
0x1c6: {  	[tilespmem:v12+s20+$0x0] =	vst.idx.msk $0xffff, v9;
	v37 =	vld.idx.msk [tilespmem:v45+s13+$0x0], $0xffff;
	v41 =	vadd.s32 v33, v59;
	v43 =	vor.u32 $0x6, v63  }
0x1c7: {  	v6 =	vld.idx.msk [tilespmem:v23+s13+$0x0], $0xffff;
	[tilespmem:v46+s20+$0x0] =	vst.idx.msk $0xffff, v4;
	v45 =	vor.u32 $0x9, v50;
	v46 =	vadd.s32 v33, v55  }
0x1c8: {  	v23 =	vor.u32 $0x9, v51;
	v12 =	vadd.s32 v42, v58;
	[tilespmem:v15+s20+$0x0] =	vst.idx.msk $0xffff, v8;
	v8 =	vld.idx.msk [tilespmem:v18+s13+$0x0], $0xffff  }
0x1c9: {  	v15 =	vadd.s32 v42, v53;
	v7 =	vld.idx.msk [tilespmem:v24+s13+$0x0], $0xffff;
	v24 =	vor.u32 $0x7, v52;
	[tilespmem:v27+s20+$0x0] =	vst.idx.msk $0xffff, v3  }
0x1ca: {  	v11 =	vadd.s32 v42, v61;
	v27 =	vor.u32 $0x7, v54;
	[tilespmem:v13+s20+$0x0] =	vst.idx.msk $0xffff, v10;
	v10 =	vld.idx.msk [tilespmem:v32+s13+$0x0], $0xffff  }
0x1cb: {  	[tilespmem:v41+s20+$0x0] =	vst.idx.msk $0xffff, v37;
	v37 =	vor.u32 $0x7, v60;
	v32 =	vadd.s32 v42, v26;
	v4 =	vld.idx.msk [tilespmem:v43+s13+$0x0], $0xffff  }
0x1cc: {  	[tilespmem:v46+s20+$0x0] =	vst.idx.msk $0xffff, v6;
	v41 =	vld.idx.msk [tilespmem:v45+s13+$0x0], $0xffff;
	v42 =	vadd.s32 v30, v48;
	v43 =	vor.u32 $0x7, v63  }
0x1cd: {  	v9 =	vld.idx.msk [tilespmem:v23+s13+$0x0], $0xffff;
	v46 =	vadd.s32 v30, v49;
	v45 =	vor.u32 $0xE, v56;
	[tilespmem:v12+s20+$0x0] =	vst.idx.msk $0xffff, v8  }
0x1ce: {  	v21 =	vor.u32 $0xE, v57;
	v23 =	vadd.s32 v25, v58;
	[tilespmem:v15+s20+$0x0] =	vst.idx.msk $0xffff, v7;
	v22 =	vld.idx.msk [tilespmem:v24+s13+$0x0], $0xffff  }
0x1cf: {  	v24 =	vadd.s32 v25, v53;
	v3 =	vld.idx.msk [tilespmem:v27+s13+$0x0], $0xffff;
	v27 =	vor.u32 $0x8, v52;
	[tilespmem:v11+s20+$0x0] =	vst.idx.msk $0xffff, v10  }
0x1d0: {  	[tilespmem:v32+s20+$0x0] =	vst.idx.msk $0xffff, v4;
	v32 =	vld.idx.msk [tilespmem:v37+s13+$0x0], $0xffff;
	v37 =	vadd.s32 v25, v61  }
0x1d1: {  	[tilespmem:v42+s20+$0x0] =	vst.idx.msk $0xffff, v41;
	v41 =	vadd.s32 v25, v26;
	v42 =	vor.u32 $0x8, v60;
	v6 =	vld.idx.msk [tilespmem:v43+s13+$0x0], $0xffff  }
0x1d2: {  	[tilespmem:v46+s20+$0x0] =	vst.idx.msk $0xffff, v9;
	v43 =	vld.idx.msk [tilespmem:v45+s13+$0x0], $0xffff;
	v45 =	vadd.s32 v47, v59  }
0x1d3: {  	v8 =	vld.idx.msk [tilespmem:v21+s13+$0x0], $0xffff;
	v21 =	vadd.s32 v47, v55;
	v46 =	vor.u32 $0xA, v50;
	[tilespmem:v23+s20+$0x0] =	vst.idx.msk $0xffff, v22  }
0x1d4: {  	v22 =	vor.u32 $0xA, v51;
	[tilespmem:v24+s20+$0x0] =	vst.idx.msk $0xffff, v3;
	v23 =	vld.idx.msk [tilespmem:v27+s13+$0x0], $0xffff;
	v24 =	vadd.s32 v29, v58  }
0x1d5: {  	v25 =	vadd.s32 v29, v53;
	v27 =	vor.u32 $0x9, v52;
	v2 =	vld.idx.msk [tilespmem:v2+s13+$0x0], $0xffff;
	[tilespmem:v37+s20+$0x0] =	vst.idx.msk $0xffff, v32  }
0x1d6: {  	v32 =	vor.u32 $0x9, v54;
	[tilespmem:v41+s20+$0x0] =	vst.idx.msk $0xffff, v6;
	v37 =	vld.idx.msk [tilespmem:v42+s13+$0x0], $0xffff;
	v41 =	vadd.s32 v29, v61  }
0x1d7: {  	[tilespmem:v45+s20+$0x0] =	vst.idx.msk $0xffff, v43;
	v42 =	vadd.s32 v29, v26;
	v43 =	vor.u32 $0x9, v60;
	v5 =	vld.idx.msk [tilespmem:v5+s13+$0x0], $0xffff  }
0x1d8: {  	[tilespmem:v21+s20+$0x0] =	vst.idx.msk $0xffff, v8;
	v9 =	vld.idx.msk [tilespmem:v46+s13+$0x0], $0xffff;
	v46 =	vor.u32 $0x9, v63;
	v45 =	vadd.s32 v44, v48  }
0x1d9: {  	v56 =	vor.u32 $0xF, v56;
	v21 =	vadd.s32 v44, v49;
	v7 =	vld.idx.msk [tilespmem:v22+s13+$0x0], $0xffff;
	[tilespmem:v24+s20+$0x0] =	vst.idx.msk $0xffff, v23  }
0x1da: {  	v22 =	vor.u32 $0xF, v57;
	v24 =	vadd.s32 v30, v58;
	[tilespmem:v25+s20+$0x0] =	vst.idx.msk $0xffff, v2;
	v23 =	vld.idx.msk [tilespmem:v27+s13+$0x0], $0xffff  }
0x1db: {  	v25 =	vor.u32 $0xA, v52;
	v27 =	vadd.s32 v30, v53;
	v4 =	vld.idx.msk [tilespmem:v32+s13+$0x0], $0xffff;
	[tilespmem:v41+s20+$0x0] =	vst.idx.msk $0xffff, v37  }
0x1dc: {  	v32 =	vor.u32 $0xA, v54;
	v41 =	vadd.s32 v30, v61;
	[tilespmem:v42+s20+$0x0] =	vst.idx.msk $0xffff, v5;
	v37 =	vld.idx.msk [tilespmem:v43+s13+$0x0], $0xffff  }
0x1dd: {  	[tilespmem:v45+s20+$0x0] =	vst.idx.msk $0xffff, v9;
	v42 =	vor.u32 $0xA, v60;
	v43 =	vadd.s32 v30, v26;
	v8 =	vld.idx.msk [tilespmem:v46+s13+$0x0], $0xffff  }
0x1de: {  	v45 =	vld.idx.msk [tilespmem:v56+s13+$0x0], $0xffff;
	v56 =	vor.u32 $0xA, v63;
	[tilespmem:v21+s20+$0x0] =	vst.idx.msk $0xffff, v7;
	v46 =	vadd.s32 v39, v59  }
0x1df: {  	v57 =	vor.u32 $0xB, v50;
	v3 =	vld.idx.msk [tilespmem:v22+s13+$0x0], $0xffff;
	v59 =	vadd.s32 v39, v55;
	[tilespmem:v24+s20+$0x0] =	vst.idx.msk $0xffff, v23  }
0x1e0: {  	v21 =	vor.u32 $0xB, v51;
	v22 =	vadd.s32 v44, v58;
	v12 =	vld.idx.msk [tilespmem:v25+s13+$0x0], $0xffff;
	[tilespmem:v27+s20+$0x0] =	vst.idx.msk $0xffff, v4  }
0x1e1: {  	v23 =	vor.u32 $0xB, v52;
	v24 =	vadd.s32 v44, v53;
	v6 =	vld.idx.msk [tilespmem:v32+s13+$0x0], $0xffff;
	[tilespmem:v41+s20+$0x0] =	vst.idx.msk $0xffff, v37  }
0x1e2: {  	v25 =	vor.u32 $0xB, v54;
	v27 =	vadd.s32 v44, v61;
	v9 =	vld.idx.msk [tilespmem:v42+s13+$0x0], $0xffff;
	[tilespmem:v43+s20+$0x0] =	vst.idx.msk $0xffff, v8  }
0x1e3: {  	v32 =	vor.u32 $0xB, v60;
	v37 =	vadd.s32 v44, v26;
	[tilespmem:v46+s20+$0x0] =	vst.idx.msk $0xffff, v45;
	v7 =	vld.idx.msk [tilespmem:v56+s13+$0x0], $0xffff  }
0x1e4: {  	v41 =	vadd.s32 v38, v48;
	v42 =	vld.idx.msk [tilespmem:v57+s13+$0x0], $0xffff;
	[tilespmem:v59+s20+$0x0] =	vst.idx.msk $0xffff, v3;
	v43 =	vor.u32 $0xB, v63  }
0x1e5: {  	v44 =	vor.u32 $0xC, v50;
	v2 =	vld.idx.msk [tilespmem:v21+s13+$0x0], $0xffff;
	v45 =	vadd.s32 v38, v49;
	[tilespmem:v22+s20+$0x0] =	vst.idx.msk $0xffff, v12  }
0x1e6: {  	v55 =	vadd.s32 v38, v58;
	v46 =	vor.u32 $0xC, v51;
	v15 =	vld.idx.msk [tilespmem:v23+s13+$0x0], $0xffff;
	[tilespmem:v24+s20+$0x0] =	vst.idx.msk $0xffff, v6  }
0x1e7: {  	v57 =	vadd.s32 v38, v53;
	v56 =	vor.u32 $0xC, v52;
	v5 =	vld.idx.msk [tilespmem:v25+s13+$0x0], $0xffff;
	[tilespmem:v27+s20+$0x0] =	vst.idx.msk $0xffff, v9  }
0x1e8: {  	v20 =	vadd.s32 v38, v61;
	v59 =	vor.u32 $0xC, v54;
	v10 =	vld.idx.msk [tilespmem:v32+s13+$0x0], $0xffff;
	[tilespmem:v37+s20+$0x0] =	vst.idx.msk $0xffff, v7  }
0x1e9: {  	v21 =	vor.u32 $0xC, v60;
	v22 =	vadd.s32 v38, v26;
	[tilespmem:v41+s20+$0x0] =	vst.idx.msk $0xffff, v42;
	v3 =	vld.idx.msk [tilespmem:v43+s13+$0x0], $0xffff  }
0x1ea: {  	v23 =	vor.u32 $0xC, v63;
	[tilespmem:v45+s20+$0x0] =	vst.idx.msk $0xffff, v2;
	v13 =	vld.idx.msk [tilespmem:v44+s13+$0x0], $0xffff  }
0x1eb: {  	v24 =	vor.u32 $0xD, v50;
	v25 =	vadd.s32 v40, v49;
	v4 =	vld.idx.msk [tilespmem:v46+s13+$0x0], $0xffff;
	[tilespmem:v55+s20+$0x0] =	vst.idx.msk $0xffff, v15  }
0x1ec: {  	v27 =	vor.u32 $0xD, v51;
	v6 =	vld.idx.msk [tilespmem:v56+s13+$0x0], $0xffff;
	[tilespmem:v57+s20+$0x0] =	vst.idx.msk $0xffff, v5  }
0x1ed: {  	v32 =	vor.u32 $0xD, v52;
	v37 =	vadd.s32 v40, v53;
	v5 =	vld.idx.msk [tilespmem:v59+s13+$0x0], $0xffff;
	[tilespmem:v20+s20+$0x0] =	vst.idx.msk $0xffff, v10  }
0x1ee: {  	v38 =	vor.u32 $0xD, v54;
	v7 =	vld.idx.msk [tilespmem:v21+s13+$0x0], $0xffff;
	[tilespmem:v22+s20+$0x0] =	vst.idx.msk $0xffff, v3  }
0x1ef: {  	v41 =	vor.u32 $0xD, v60;
	v42 =	vadd.s32 v40, v26;
	[tilespmem:v62+s20+$0x0] =	vst.idx.msk $0xffff, v13;
	v2 =	vld.idx.msk [tilespmem:v23+s13+$0x0], $0xffff  }
0x1f0: {  	v45 =	vor.u32 $0xD, v63;
	v44 =	vadd.s32 v33, v48;
	[tilespmem:v25+s20+$0x0] =	vst.idx.msk $0xffff, v4;
	v43 =	vld.idx.msk [tilespmem:v24+s13+$0x0], $0xffff  }
0x1f1: {  	v46 =	vadd.s32 v33, v49;
	v55 =	vor.u32 $0xE, v50;
	v12 =	vld.idx.msk [tilespmem:v27+s13+$0x0], $0xffff;
	[tilespmem:v1+s20+$0x0] =	vst.idx.msk $0xffff, v6  }
0x1f2: {  	v56 =	vor.u32 $0xE, v51;
	v59 =	vadd.s32 v33, v58;
	[tilespmem:v37+s20+$0x0] =	vst.idx.msk $0xffff, v5;
	v57 =	vld.idx.msk [tilespmem:v32+s13+$0x0], $0xffff  }
0x1f3: {  	v20 =	vadd.s32 v33, v53;
	v21 =	vor.u32 $0xE, v52;
	v62 =	vld.idx.msk [tilespmem:v38+s13+$0x0], $0xffff;
	[tilespmem:v0+s20+$0x0] =	vst.idx.msk $0xffff, v7  }
0x1f4: {  	v22 =	vor.u32 $0xE, v54;
	v24 =	vadd.s32 v33, v61;
	[tilespmem:v42+s20+$0x0] =	vst.idx.msk $0xffff, v2;
	v23 =	vld.idx.msk [tilespmem:v41+s13+$0x0], $0xffff  }
0x1f5: {  	v27 =	vadd.s32 v33, v26;
	v32 =	vor.u32 $0xE, v60;
	[tilespmem:v44+s20+$0x0] =	vst.idx.msk $0xffff, v43;
	v25 =	vld.idx.msk [tilespmem:v45+s13+$0x0], $0xffff  }
0x1f6: {  	v33 =	vadd.s32 v47, v48;
	v37 =	vor.u32 $0xE, v63;
	[tilespmem:v46+s20+$0x0] =	vst.idx.msk $0xffff, v12;
	v11 =	vld.idx.msk [tilespmem:v55+s13+$0x0], $0xffff  }
0x1f7: {  	v40 =	vor.u32 $0xF, v50;
	v38 =	vadd.s32 v47, v49;
	v1 =	vld.idx.msk [tilespmem:v56+s13+$0x0], $0xffff;
	[tilespmem:v59+s20+$0x0] =	vst.idx.msk $0xffff, v57  }
0x1f8: {  	v41 =	vor.u32 $0xF, v51;
	v42 =	vadd.s32 v47, v58;
	[tilespmem:v20+s20+$0x0] =	vst.idx.msk $0xffff, v62;
	v6 =	vld.idx.msk [tilespmem:v21+s13+$0x0], $0xffff  }
0x1f9: {  	v43 =	vadd.s32 v47, v53;
	v44 =	vor.u32 $0xF, v52;
	v0 =	vld.idx.msk [tilespmem:v22+s13+$0x0], $0xffff;
	[tilespmem:v24+s20+$0x0] =	vst.idx.msk $0xffff, v23  }
0x1fa: {  	v46 =	vadd.s32 v47, v61;
	v45 =	vor.u32 $0xF, v54;
	[tilespmem:v27+s20+$0x0] =	vst.idx.msk $0xffff, v25;
	v3 =	vld.idx.msk [tilespmem:v32+s13+$0x0], $0xffff  }
0x1fb: {  	v50 =	vadd.s32 v47, v26;
	v51 =	vor.u32 $0xF, v60;
	[tilespmem:v33+s20+$0x0] =	vst.idx.msk $0xffff, v11;
	v7 =	vld.idx.msk [tilespmem:v37+s13+$0x0], $0xffff  }
0x1fc: {  	v55 =	vor.u32 $0xF, v63;
	v54 =	vadd.s32 v39, v48;
	[tilespmem:v38+s20+$0x0] =	vst.idx.msk $0xffff, v1;
	v52 =	vld.idx.msk [tilespmem:v40+s13+$0x0], $0xffff  }
0x1fd: {  	v56 =	vadd.s32 v39, v49;
	v5 =	vld.idx.msk [tilespmem:v41+s13+$0x0], $0xffff;
	[tilespmem:v42+s20+$0x0] =	vst.idx.msk $0xffff, v6  }
0x1fe: {  	v59 =	vadd.s32 v39, v58;
	[tilespmem:v43+s20+$0x0] =	vst.idx.msk $0xffff, v0;
	v57 =	vld.idx.msk [tilespmem:v44+s13+$0x0], $0xffff  }
0x1ff: {  	v60 =	vadd.s32 v39, v53;
	v2 =	vld.idx.msk [tilespmem:v45+s13+$0x0], $0xffff;
	[tilespmem:v46+s20+$0x0] =	vst.idx.msk $0xffff, v3  }
0x200: {  	v61 =	vadd.s32 v39, v61;
	[tilespmem:v50+s20+$0x0] =	vst.idx.msk $0xffff, v7;
	v3 =	vld.idx.msk [tilespmem:v51+s13+$0x0], $0xffff  }
0x201: {  	v63 =	vadd.s32 v39, v26;
	[tilespmem:v54+s20+$0x0] =	vst.idx.msk $0xffff, v52;
	v62 =	vld.idx.msk [tilespmem:v55+s13+$0x0], $0xffff  }
0x202: {  	[tilespmem:v56+s20+$0x0] =	vst.idx.msk $0xffff, v5  }
0x203: {  	[tilespmem:v59+s20+$0x0] =	vst.idx.msk $0xffff, v57  }
0x204: {  	[tilespmem:v60+s20+$0x0] =	vst.idx.msk $0xffff, v2  }
0x205: {  	[tilespmem:v61+s20+$0x0] =	vst.idx.msk $0xffff, v3  }
0x206: {  	s28 =	simm.s32 $0x0;
	s29 =	simm.s32 $0xAA10;
	[tilespmem:v63+s20+$0x0] =	vst.idx.msk $0xffff, v62  }
.LBB2_8:
0x207: {  	p0 =	sne.s32 s28, $0x1FF0  }
.Ltmp3:
0x208: {  	_ = 	snop;
	(pc) =	sbr.rel @p0 .LBB2_8-.Ltmp3, $4  }
0x209: {  	_ = 	snop  }
0x20a: {  	s30 =	sadd.s32 s28, s9  }
0x20b: {  	[hbm4b:s30+s2] =	stream.linear.scatter [tilespmem:s29], [sflag:$0x4], $0x10, $0x38;
	[tilespmem:$0x10BE0] =	vst v63  }
0x20c: {  	s28 =	sadd.s32 $0x10, s28;
	s29 =	sadd.s32 $0x30, s29  }
0x20d: {  	s28 =	simm.s32 $0x610  }
0x20e: {  	v0 =	vld [tilespmem:s28+$0x0];
	_ =	sdelay $0x3  }
0x20f: {  	v1 =	vld [tilespmem:s28+$0xFFFFFFF0];
	s28 =	simm.s32 $0x10  }
0x210: {  	v33 =	vld [tilespmem:$0x1FF20];
	v56 =	vshll.u32 v0, $0x4;
	v0 =	vmov s28  }
0x211: {  	v0 =	vmul.u32 $0x30, v0;
	_ =	sdelay $0x1  }
0x212: {  	v59 =	vbroadcast v0, $0x0;
	_ =	sdelay $0x1  }
0x213: {  	v57 =	vshll.u32 v1, $0x4;
	v1 =	vld.idx.msk [tilespmem:v56+s13+$0x0], $0xffff;
	v2 =	vadd.s32 v33, v59;
	_ =	sdelay $0x3  }
0x214: {  	s28 =	simm.s32 $0x0  }
0x215: {  	v0 =	vmov s28;
	[tilespmem:v2+s20+$0x0] =	vst.idx.msk $0xffff, v1  }
0x216: {  	v3 =	vor.u32 $0x1, v56;
	v0 =	vmul.u32 $0x30, v0;
	v38 =	vld [tilespmem:$0x1FF30];
	_ =	sdelay $0x1  }
0x217: {  	v55 =	vbroadcast v0, $0x0;
	_ =	sdelay $0x1  }
0x218: {  	v0 =	vld.idx.msk [tilespmem:v57+s13+$0x0], $0xffff;
	v4 =	vadd.s32 v33, v55  }
0x219: {  	v1 =	vld.idx.msk [tilespmem:v3+s13+$0x0], $0xffff;
	v2 =	vadd.s32 v38, v59;
	_ =	sdelay $0x3  }
0x21a: {  	[tilespmem:v4+s20+$0x0] =	vst.idx.msk $0xffff, v0  }
0x21b: {  	v5 =	vor.u32 $0x1, v57;
	[tilespmem:v2+s20+$0x0] =	vst.idx.msk $0xffff, v1  }
0x21c: {  	v3 =	vor.u32 $0x2, v56;
	v39 =	vld [tilespmem:$0x1FF40];
	_ =	sdelay $0x3  }
0x21d: {  	v0 =	vld.idx.msk [tilespmem:v5+s13+$0x0], $0xffff;
	v4 =	vadd.s32 v38, v55  }
0x21e: {  	v1 =	vld.idx.msk [tilespmem:v3+s13+$0x0], $0xffff;
	v2 =	vadd.s32 v39, v59;
	_ =	sdelay $0x3  }
0x21f: {  	[tilespmem:v4+s20+$0x0] =	vst.idx.msk $0xffff, v0  }
0x220: {  	v5 =	vor.u32 $0x2, v57;
	[tilespmem:v2+s20+$0x0] =	vst.idx.msk $0xffff, v1  }
0x221: {  	v3 =	vor.u32 $0x3, v56;
	v32 =	vld [tilespmem:$0x1FE40];
	_ =	sdelay $0x3  }
0x222: {  	v0 =	vld.idx.msk [tilespmem:v5+s13+$0x0], $0xffff;
	v4 =	vadd.s32 v39, v55  }
0x223: {  	v1 =	vld.idx.msk [tilespmem:v3+s13+$0x0], $0xffff;
	v2 =	vadd.s32 v32, v59;
	_ =	sdelay $0x3  }
0x224: {  	[tilespmem:v4+s20+$0x0] =	vst.idx.msk $0xffff, v0  }
0x225: {  	v6 =	vor.u32 $0x3, v57;
	[tilespmem:v2+s20+$0x0] =	vst.idx.msk $0xffff, v1  }
0x226: {  	v3 =	vor.u32 $0x4, v56;
	v40 =	vld [tilespmem:$0x1FE50]  }
0x227: {  	s28 =	simm.s32 $0x630  }
0x228: {  	v7 =	vld [tilespmem:s28+$0x0]  }
0x229: {  	v5 =	vld [tilespmem:s28+$0xFFFFFFF0]  }
0x22a: {  	v0 =	vld.idx.msk [tilespmem:v6+s13+$0x0], $0xffff;
	v4 =	vadd.s32 v32, v55  }
0x22b: {  	v2 =	vld.idx.msk [tilespmem:v3+s13+$0x0], $0xffff;
	v3 =	vadd.s32 v40, v59;
	_ =	sdelay $0x1  }
0x22c: {  	s28 =	simm.s32 $0x20  }
0x22d: {  	v51 =	vshll.u32 v5, $0x4;
	v5 =	vmov s28  }
0x22e: {  	s28 =	simm.s32 $0x30;
	v5 =	vmul.u32 $0x30, v5;
	v6 =	vor.u32 $0x4, v57;
	[tilespmem:v4+s20+$0x0] =	vst.idx.msk $0xffff, v0  }
0x22f: {  	v50 =	vshll.u32 v7, $0x4;
	v1 =	vmov s28;
	[tilespmem:v3+s20+$0x0] =	vst.idx.msk $0xffff, v2  }
0x230: {  	v49 =	vbroadcast v5, $0x0;
	v5 =	vor.u32 $0x5, v56;
	v1 =	vmul.u32 $0x30, v1;
	v41 =	vld [tilespmem:$0x1FE60];
	_ =	sdelay $0x1  }
0x231: {  	v0 =	vld.idx.msk [tilespmem:v51+s13+$0x0], $0xffff;
	v4 =	vadd.s32 v33, v49;
	v48 =	vbroadcast v1, $0x0  }
0x232: {  	v1 =	vld.idx.msk [tilespmem:v6+s13+$0x0], $0xffff;
	v6 =	vadd.s32 v40, v55  }
0x233: {  	v9 =	vld.idx.msk [tilespmem:v50+s13+$0x0], $0xffff;
	v10 =	vadd.s32 v33, v48  }
0x234: {  	v3 =	vld.idx.msk [tilespmem:v5+s13+$0x0], $0xffff;
	v5 =	vadd.s32 v41, v59;
	_ =	sdelay $0x1  }
0x235: {  	[tilespmem:v4+s20+$0x0] =	vst.idx.msk $0xffff, v0  }
0x236: {  	v7 =	vor.u32 $0x1, v51;
	[tilespmem:v6+s20+$0x0] =	vst.idx.msk $0xffff, v1  }
0x237: {  	v8 =	vor.u32 $0x5, v57;
	[tilespmem:v10+s20+$0x0] =	vst.idx.msk $0xffff, v9  }
0x238: {  	v2 =	vor.u32 $0x1, v50;
	[tilespmem:v5+s20+$0x0] =	vst.idx.msk $0xffff, v3  }
0x239: {  	v0 =	vor.u32 $0x6, v56;
	v42 =	vld [tilespmem:$0x1FE70];
	_ =	sdelay $0x1  }
0x23a: {  	v4 =	vadd.s32 v38, v49;
	v1 =	vld.idx.msk [tilespmem:v7+s13+$0x0], $0xffff  }
0x23b: {  	v6 =	vld.idx.msk [tilespmem:v8+s13+$0x0], $0xffff;
	v7 =	vadd.s32 v41, v55  }
0x23c: {  	v2 =	vld.idx.msk [tilespmem:v2+s13+$0x0], $0xffff;
	v3 =	vadd.s32 v38, v48  }
0x23d: {  	v0 =	vld.idx.msk [tilespmem:v0+s13+$0x0], $0xffff;
	v11 =	vadd.s32 v42, v59;
	_ =	sdelay $0x1  }
0x23e: {  	[tilespmem:v4+s20+$0x0] =	vst.idx.msk $0xffff, v1  }
0x23f: {  	v8 =	vor.u32 $0x2, v51;
	[tilespmem:v7+s20+$0x0] =	vst.idx.msk $0xffff, v6  }
0x240: {  	v10 =	vor.u32 $0x6, v57;
	[tilespmem:v3+s20+$0x0] =	vst.idx.msk $0xffff, v2  }
0x241: {  	v5 =	vor.u32 $0x2, v50;
	[tilespmem:v11+s20+$0x0] =	vst.idx.msk $0xffff, v0  }
0x242: {  	s28 =	simm.s32 $0x650;
	v1 =	vor.u32 $0x7, v56;
	v28 =	vld [tilespmem:$0x1FF50]  }
0x243: {  	v12 =	vld [tilespmem:s28+$0xFFFFFFF0]  }
0x244: {  	v6 =	vadd.s32 v39, v49;
	v4 =	vld.idx.msk [tilespmem:v8+s13+$0x0], $0xffff  }
0x245: {  	v7 =	vld.idx.msk [tilespmem:v10+s13+$0x0], $0xffff;
	v8 =	vadd.s32 v42, v55  }
0x246: {  	v2 =	vld.idx.msk [tilespmem:v5+s13+$0x0], $0xffff;
	v0 =	vadd.s32 v39, v48  }
0x247: {  	v10 =	vor.u32 $0x3, v51;
	v1 =	vld.idx.msk [tilespmem:v1+s13+$0x0], $0xffff;
	v5 =	vadd.s32 v28, v59;
	_ =	sdelay $0x1  }
0x248: {  	[tilespmem:v6+s20+$0x0] =	vst.idx.msk $0xffff, v4  }
0x249: {  	v13 =	vor.u32 $0x7, v57;
	[tilespmem:v8+s20+$0x0] =	vst.idx.msk $0xffff, v7  }
0x24a: {  	v9 =	vld [tilespmem:s28+$0x0];
	s28 =	simm.s32 $0x40;
	v3 =	vor.u32 $0x3, v50;
	[tilespmem:v0+s20+$0x0] =	vst.idx.msk $0xffff, v2  }
0x24b: {  	v54 =	vshll.u32 v12, $0x4;
	v7 =	vadd.s32 v32, v49;
	v8 =	vmov s28;
	v6 =	vld.idx.msk [tilespmem:v10+s13+$0x0], $0xffff;
	[tilespmem:v5+s20+$0x0] =	vst.idx.msk $0xffff, v1  }
0x24c: {  	v4 =	vor.u32 $0x8, v56;
	v8 =	vmul.u32 $0x30, v8;
	v29 =	vld [tilespmem:$0x1FE80];
	_ =	sdelay $0x1  }
0x24d: {  	v10 =	vld.idx.msk [tilespmem:v13+s13+$0x0], $0xffff;
	v53 =	vbroadcast v8, $0x0;
	v11 =	vadd.s32 v28, v55  }
0x24e: {  	v0 =	vld.idx.msk [tilespmem:v3+s13+$0x0], $0xffff;
	v1 =	vadd.s32 v32, v48  }
0x24f: {  	v5 =	vld.idx.msk [tilespmem:v54+s13+$0x0], $0xffff;
	[tilespmem:v7+s20+$0x0] =	vst.idx.msk $0xffff, v6;
	v6 =	vadd.s32 v33, v53  }
0x250: {  	v52 =	vshll.u32 v9, $0x4;
	v9 =	vor.u32 $0x4, v51;
	v2 =	vld.idx.msk [tilespmem:v4+s13+$0x0], $0xffff;
	v4 =	vadd.s32 v29, v59;
	_ =	sdelay $0x1  }
0x251: {  	v12 =	vor.u32 $0x8, v57;
	[tilespmem:v11+s20+$0x0] =	vst.idx.msk $0xffff, v10  }
0x252: {  	v3 =	vor.u32 $0x4, v50;
	[tilespmem:v1+s20+$0x0] =	vst.idx.msk $0xffff, v0  }
0x253: {  	v7 =	vor.u32 $0x9, v56;
	[tilespmem:v6+s20+$0x0] =	vst.idx.msk $0xffff, v5  }
0x254: {  	v10 =	vor.u32 $0x1, v54;
	v8 =	vld.idx.msk [tilespmem:v9+s13+$0x0], $0xffff;
	v9 =	vadd.s32 v40, v49;
	[tilespmem:v4+s20+$0x0] =	vst.idx.msk $0xffff, v2  }
0x255: {  	v30 =	vld [tilespmem:$0x1FE90]  }
0x256: {  	v12 =	vld.idx.msk [tilespmem:v12+s13+$0x0], $0xffff  }
0x257: {  	v14 =	vadd.s32 v29, v55;
	v1 =	vld.idx.msk [tilespmem:v3+s13+$0x0], $0xffff  }
0x258: {  	v2 =	vadd.s32 v40, v48;
	v4 =	vld.idx.msk [tilespmem:v7+s13+$0x0], $0xffff  }
0x259: {  	[tilespmem:v9+s20+$0x0] =	vst.idx.msk $0xffff, v8;
	v7 =	vld.idx.msk [tilespmem:v10+s13+$0x0], $0xffff;
	v8 =	vadd.s32 v38, v53  }
0x25a: {  	v11 =	vor.u32 $0x5, v51;
	v6 =	vadd.s32 v30, v59  }
0x25b: {  	s29 =	simm.s32 $0x50  }
0x25c: {  	v16 =	vor.u32 $0x9, v57;
	v0 =	vmov s29;
	[tilespmem:v14+s20+$0x0] =	vst.idx.msk $0xffff, v12  }
0x25d: {  	v0 =	vmul.u32 $0x30, v0;
	v43 =	vld [tilespmem:$0x1FF80];
	[tilespmem:v2+s20+$0x0] =	vst.idx.msk $0xffff, v1  }
0x25e: {  	v13 =	vld.idx.msk [tilespmem:v52+s13+$0x0], $0xffff;
	v5 =	vor.u32 $0x5, v50;
	[tilespmem:v8+s20+$0x0] =	vst.idx.msk $0xffff, v7  }
0x25f: {  	v58 =	vbroadcast v0, $0x0;
	v10 =	vadd.s32 v41, v49;
	v0 =	vld.idx.msk [tilespmem:v11+s13+$0x0], $0xffff;
	v11 =	vor.u32 $0x2, v54;
	[tilespmem:v6+s20+$0x0] =	vst.idx.msk $0xffff, v4  }
0x260: {  	v9 =	vor.u32 $0xA, v56;
	v44 =	vld [tilespmem:$0x1FF60]  }
0x261: {  	s28 =	simm.s32 $0x670;
	v14 =	vld.idx.msk [tilespmem:v16+s13+$0x0], $0xffff;
	v16 =	vadd.s32 v30, v55  }
0x262: {  	v18 =	vld [tilespmem:s28+$0x0];
	v17 =	vadd.s32 v33, v58  }
0x263: {  	v2 =	vld.idx.msk [tilespmem:v5+s13+$0x0], $0xffff;
	v4 =	vadd.s32 v41, v48  }
0x264: {  	v12 =	vor.u32 $0x6, v51;
	v8 =	vadd.s32 v39, v53;
	[tilespmem:v10+s20+$0x0] =	vst.idx.msk $0xffff, v0;
	v0 =	vld.idx.msk [tilespmem:v11+s13+$0x0], $0xffff  }
0x265: {  	v19 =	vor.u32 $0xA, v57;
	v5 =	vld.idx.msk [tilespmem:v9+s13+$0x0], $0xffff;
	v7 =	vadd.s32 v44, v59  }
0x266: {  	[tilespmem:v16+s20+$0x0] =	vst.idx.msk $0xffff, v14  }
0x267: {  	v1 =	vor.u32 $0x1, v52;
	[tilespmem:v17+s20+$0x0] =	vst.idx.msk $0xffff, v13  }
0x268: {  	v15 =	vld [tilespmem:s28+$0xFFFFFFF0];
	v6 =	vor.u32 $0x6, v50;
	[tilespmem:v4+s20+$0x0] =	vst.idx.msk $0xffff, v2  }
0x269: {  	s29 =	simm.s32 $0x70;
	v11 =	vor.u32 $0x3, v54;
	v10 =	vld.idx.msk [tilespmem:v12+s13+$0x0], $0xffff;
	[tilespmem:v8+s20+$0x0] =	vst.idx.msk $0xffff, v0  }
0x26a: {  	v60 =	vshll.u32 v18, $0x4;
	v14 =	vadd.s32 v42, v49;
	v16 =	vmov s29;
	v12 =	vld.idx.msk [tilespmem:v19+s13+$0x0], $0xffff;
	[tilespmem:v7+s20+$0x0] =	vst.idx.msk $0xffff, v5  }
0x26b: {  	v9 =	vor.u32 $0xB, v56;
	v2 =	vmul.u32 $0x30, v16;
	v13 =	vadd.s32 v44, v55;
	v37 =	vld [tilespmem:$0x1FF70]  }
0x26c: {  	v17 =	vld.idx.msk [tilespmem:v1+s13+$0x0], $0xffff;
	v1 =	vor.u32 $0xB, v57;
	v16 =	vadd.s32 v38, v58  }
0x26d: {  	v20 =	vadd.s32 v42, v48;
	v18 =	vor.u32 $0x7, v51;
	v6 =	vld.idx.msk [tilespmem:v6+s13+$0x0], $0xffff;
	v61 =	vbroadcast v2, $0x0  }
0x26e: {  	v25 =	vadd.s32 v32, v53;
	v19 =	vor.u32 $0x2, v52;
	v11 =	vld.idx.msk [tilespmem:v11+s13+$0x0], $0xffff  }
0x26f: {  	v23 =	vor.u32 $0x7, v50;
	v24 =	vld.idx.msk [tilespmem:v60+s13+$0x0], $0xffff;
	[tilespmem:v14+s20+$0x0] =	vst.idx.msk $0xffff, v10;
	v10 =	vadd.s32 v33, v61  }
0x270: {  	v27 =	vor.u32 $0x4, v54;
	v21 =	vld.idx.msk [tilespmem:v9+s13+$0x0], $0xffff;
	[tilespmem:v13+s20+$0x0] =	vst.idx.msk $0xffff, v12;
	v22 =	vadd.s32 v37, v59  }
0x271: {  	v26 =	vor.u32 $0xC, v56;
	[tilespmem:v16+s20+$0x0] =	vst.idx.msk $0xffff, v17;
	v7 =	vld.idx.msk [tilespmem:v1+s13+$0x0], $0xffff  }
0x272: {  	[tilespmem:v20+s20+$0x0] =	vst.idx.msk $0xffff, v6;
	v9 =	vld.idx.msk [tilespmem:v18+s13+$0x0], $0xffff  }
0x273: {  	v8 =	vshll.u32 v15, $0x4;
	[tilespmem:v25+s20+$0x0] =	vst.idx.msk $0xffff, v11;
	v15 =	vld.idx.msk [tilespmem:v19+s13+$0x0], $0xffff  }
0x274: {  	v3 =	vadd.s32 v43, v59;
	v62 =	vadd.s32 v43, v48;
	v14 =	vld.idx.msk [tilespmem:v23+s13+$0x0], $0xffff;
	[tilespmem:v10+s20+$0x0] =	vst.idx.msk $0xffff, v24  }
0x275: {  	v4 =	vor.u32 $0x8, v51;
	v2 =	vor.u32 $0x8, v54;
	v0 =	vadd.s32 v43, v61;
	v10 =	vld.idx.msk [tilespmem:v27+s13+$0x0], $0xffff;
	[tilespmem:v22+s20+$0x0] =	vst.idx.msk $0xffff, v21  }
0x276: {  	s30 =	simm.s32 $0x60;
	v5 =	vor.u32 $0x8, v8;
	v6 =	vor.u32 $0x1, v60;
	v12 =	vor.u32 $0xC, v57;
	v11 =	vld.idx.msk [tilespmem:v26+s13+$0x0], $0xffff  }
0x277: {  	v16 =	vmov s30;
	v20 =	vor.u32 $0x3, v52;
	v17 =	vadd.s32 v28, v48;
	v45 =	vld [tilespmem:$0x1FF90]  }
0x278: {  	v1 =	vadd.s32 v43, v58;
	v18 =	vadd.s32 v39, v58;
	v13 =	vadd.s32 v37, v55;
	v46 =	vld [tilespmem:$0x1FFA0]  }
0x279: {  	v63 =	vmovc v8;
	s30 =	simm.s32 $0x6;
	v19 =	vadd.s32 v28, v49;
	v21 =	vmul.u32 $0x30, v16;
	v16 =	vor.u32 $0x8, v50;
	v47 =	vld [tilespmem:$0x1FFB0]  }
.LBB2_10:
0x27a: {  	_ =	sdelay $0x2  }
0x27b: {  	v8 =	vld.idx.msk [tilespmem:v8+s13+$0x0], $0xffff;
	[tilespmem:v13+s20+$0x0] =	vst.idx.msk $0xffff, v7;
	v13 =	vadd.s32 v40, v53;
	v7 =	vbroadcast v21, $0x0  }
0x27c: {  	s28 =	sadd.s32 $0x20, s28;
	v12 =	vld.idx.msk [tilespmem:v12+s13+$0x0], $0xffff;
	[tilespmem:v18+s20+$0x0] =	vst.idx.msk $0xffff, v15;
	v15 =	vadd.s32 v43, v55  }
0x27d: {  	v21 =	vor.u32 $0xD, v56;
	v22 =	vld [tilespmem:s28+$0xFFFFFFF0];
	[tilespmem:v19+s20+$0x0] =	vst.idx.msk $0xffff, v9;
	v18 =	vadd.s32 v33, v7  }
0x27e: {  	v20 =	vld.idx.msk [tilespmem:v20+s13+$0x0], $0xffff;
	[tilespmem:v17+s20+$0x0] =	vst.idx.msk $0xffff, v14;
	v14 =	vor.u32 $0xD, v57  }
0x27f: {  	v23 =	vadd.s32 v32, v58;
	v17 =	vor.u32 $0x5, v54;
	v9 =	vld.idx.msk [tilespmem:v16+s13+$0x0], $0xffff;
	[tilespmem:v3+s20+$0x0] =	vst.idx.msk $0xffff, v11  }
0x280: {  	v19 =	vld.idx.msk [tilespmem:v4+s13+$0x0], $0xffff;
	v16 =	vor.u32 $0x4, v52;
	v24 =	vadd.s32 v29, v48;
	[tilespmem:v13+s20+$0x0] =	vst.idx.msk $0xffff, v10  }
0x281: {  	v11 =	vld [tilespmem:s28+$0x0];
	v10 =	vadd.s32 v29, v49;
	v13 =	vor.u32 $0x9, v50;
	[tilespmem:v15+s20+$0x0] =	vst.idx.msk $0xffff, v12  }
0x282: {  	v4 =	vmov v2;
	v12 =	vld.idx.msk [tilespmem:v21+s13+$0x0], $0xffff;
	[tilespmem:v18+s20+$0x0] =	vst.idx.msk $0xffff, v8  }
0x283: {  	v2 =	vmovc v5;
	v5 =	vor.u32 $0x1, v63;
	v3 =	vmovc v62;
	v62 =	vmov v1;
	v15 =	vadd.s32 v45, v59;
	v14 =	vld.idx.msk [tilespmem:v14+s13+$0x0], $0xffff  }
0x284: {  	v1 =	vmov v0;
	v8 =	vor.u32 $0x9, v51;
	[tilespmem:v23+s20+$0x0] =	vst.idx.msk $0xffff, v20;
	v0 =	vld.idx.msk [tilespmem:v17+s13+$0x0], $0xffff;
	v17 =	vadd.s32 v45, v55  }
0x285: {  	v18 =	vor.u32 $0xE, v56;
	v23 =	vadd.s32 v40, v58;
	v16 =	vld.idx.msk [tilespmem:v16+s13+$0x0], $0xffff;
	[tilespmem:v24+s20+$0x0] =	vst.idx.msk $0xffff, v9  }
0x286: {  	v20 =	vadd.s32 v41, v53;
	[tilespmem:v10+s20+$0x0] =	vst.idx.msk $0xffff, v19;
	v10 =	vld.idx.msk [tilespmem:v13+s13+$0x0], $0xffff;
	v13 =	vor.u32 $0x5, v52  }
0x287: {  	v9 =	vor.u32 $0xE, v57  }
0x288: {  	v21 =	vor.u32 $0x6, v54;
	v19 =	vadd.s32 v30, v48;
	v5 =	vld.idx.msk [tilespmem:v5+s13+$0x0], $0xffff;
	[tilespmem:v15+s20+$0x0] =	vst.idx.msk $0xffff, v12  }
0x289: {  	v25 =	vor.u32 $0xA, v50;
	v24 =	vadd.s32 v38, v7;
	v8 =	vld.idx.msk [tilespmem:v8+s13+$0x0], $0xffff;
	[tilespmem:v17+s20+$0x0] =	vst.idx.msk $0xffff, v14  }
0x28a: {  	v12 =	vor.u32 $0x2, v63;
	v15 =	vadd.s32 v30, v49;
	v14 =	vld.idx.msk [tilespmem:v18+s13+$0x0], $0xffff;
	[tilespmem:v23+s20+$0x0] =	vst.idx.msk $0xffff, v16  }
0x28b: {  	v17 =	vadd.s32 v46, v59;
	[tilespmem:v20+s20+$0x0] =	vst.idx.msk $0xffff, v0;
	v0 =	vor.u32 $0xA, v51;
	v13 =	vld.idx.msk [tilespmem:v13+s13+$0x0], $0xffff  }
0x28c: {  	v16 =	vadd.s32 v46, v55;
	v20 =	vor.u32 $0xF, v56;
	v9 =	vld.idx.msk [tilespmem:v9+s13+$0x0], $0xffff  }
0x28d: {  	v56 =	vmov v50;
	[tilespmem:v19+s20+$0x0] =	vst.idx.msk $0xffff, v10;
	v10 =	vor.u32 $0xF, v57;
	v18 =	vld.idx.msk [tilespmem:v21+s13+$0x0], $0xffff;
	v21 =	vadd.s32 v42, v53  }
0x28e: {  	v50 =	vmov v52;
	v19 =	vadd.s32 v41, v58;
	v52 =	vmov v60;
	[tilespmem:v24+s20+$0x0] =	vst.idx.msk $0xffff, v5;
	v23 =	vld.idx.msk [tilespmem:v25+s13+$0x0], $0xffff  }
0x28f: {  	v60 =	vshll.u32 v11, $0x4;
	v11 =	vld.idx.msk [tilespmem:v12+s13+$0x0], $0xffff;
	v12 =	vor.u32 $0x6, v50;
	[tilespmem:v15+s20+$0x0] =	vst.idx.msk $0xffff, v8;
	v15 =	vadd.s32 v44, v48  }
0x290: {  	v24 =	vor.u32 $0xB, v56;
	v8 =	vshll.u32 v22, $0x4;
	v22 =	vadd.s32 v39, v7;
	[tilespmem:v17+s20+$0x0] =	vst.idx.msk $0xffff, v14;
	v0 =	vld.idx.msk [tilespmem:v0+s13+$0x0], $0xffff  }
0x291: {  	v14 =	vor.u32 $0x3, v63;
	[tilespmem:v16+s20+$0x0] =	vst.idx.msk $0xffff, v9;
	v9 =	vld.idx.msk [tilespmem:v20+s13+$0x0], $0xffff  }
0x292: {  	v57 =	vmov v51;
	v17 =	vadd.s32 v44, v49;
	[tilespmem:v21+s20+$0x0] =	vst.idx.msk $0xffff, v18;
	v21 =	vld.idx.msk [tilespmem:v6+s13+$0x0], $0xffff  }
0x293: {  	s29 =	sadd.s32 $0x20, s29;
	v16 =	vadd.s32 v47, v55;
	[tilespmem:v19+s20+$0x0] =	vst.idx.msk $0xffff, v13;
	v13 =	vor.u32 $0xB, v57;
	v10 =	vld.idx.msk [tilespmem:v10+s13+$0x0], $0xffff  }
0x294: {  	v25 =	vor.u32 $0x7, v54;
	v20 =	vmov s29;
	v18 =	vadd.s32 v47, v59;
	v12 =	vld.idx.msk [tilespmem:v12+s13+$0x0], $0xffff;
	[tilespmem:v15+s20+$0x0] =	vst.idx.msk $0xffff, v23  }
0x295: {  	v6 =	vmul.u32 $0x30, v20;
	v20 =	vadd.s32 v38, v61;
	[tilespmem:v22+s20+$0x0] =	vst.idx.msk $0xffff, v11;
	v23 =	vld.idx.msk [tilespmem:v24+s13+$0x0], $0xffff  }
0x296: {  	v55 =	vmovc v49;
	v49 =	vmovc v53;
	v53 =	vmov v7;
	v11 =	vor.u32 $0x2, v52;
	v22 =	vadd.s32 v42, v58;
	v26 =	vld.idx.msk [tilespmem:v14+s13+$0x0], $0xffff  }
0x297: {  	v19 =	vadd.s32 v37, v48;
	v24 =	vbroadcast v6, $0x0;
	v14 =	vor.u32 $0x7, v50;
	v27 =	vld.idx.msk [tilespmem:v60+s13+$0x0], $0xffff;
	[tilespmem:v17+s20+$0x0] =	vst.idx.msk $0xffff, v0  }
0x298: {  	v28 =	vor.u32 $0xC, v56;
	v17 =	vadd.s32 v32, v53;
	v7 =	vld.idx.msk [tilespmem:v13+s13+$0x0], $0xffff;
	[tilespmem:v16+s20+$0x0] =	vst.idx.msk $0xffff, v10  }
0x299: {  	v29 =	vadd.s32 v33, v24;
	[tilespmem:v18+s20+$0x0] =	vst.idx.msk $0xffff, v9;
	v9 =	vld.idx.msk [tilespmem:v25+s13+$0x0], $0xffff  }
0x29a: {  	s30 =	sadd.s32 $0x2, s30;
	v30 =	vor.u32 $0x4, v63;
	[tilespmem:v20+s20+$0x0] =	vst.idx.msk $0xffff, v21;
	v25 =	vld [tilespmem:$0x1FF50]  }
0x29b: {  	p0 =	slt.u32 s30, $0x1E;
	v15 =	vld.idx.msk [tilespmem:v11+s13+$0x0], $0xffff;
	[tilespmem:v22+s20+$0x0] =	vst.idx.msk $0xffff, v12  }
.Ltmp4:
0x29c: {  	v51 =	vmov v54;
	v54 =	vmov v63;
	v14 =	vld.idx.msk [tilespmem:v14+s13+$0x0], $0xffff;
	[tilespmem:v19+s20+$0x0] =	vst.idx.msk $0xffff, v23;
	(pc) =	sbr.rel @p0 .LBB2_10-.Ltmp4, $4  }
0x29d: {  	s31 =	sadd.s32 $0xFFFFFFF0, s29;
	v5 =	vor.u32 $0x8, v8;
	v6 =	vor.u32 $0x1, v60;
	v0 =	vadd.s32 v43, v24;
	[tilespmem:v17+s20+$0x0] =	vst.idx.msk $0xffff, v26;
	v11 =	vld.idx.msk [tilespmem:v28+s13+$0x0], $0xffff  }
0x29e: {  	v63 =	vmovc v8;
	v13 =	vadd.s32 v37, v55;
	v18 =	vadd.s32 v39, v61;
	v10 =	vmov s31;
	[tilespmem:v29+s20+$0x0] =	vst.idx.msk $0xffff, v27;
	v29 =	vld [tilespmem:$0x1FE80]  }
0x29f: {  	v59 =	vmovc v48;
	v48 =	vmovc v58;
	v20 =	vor.u32 $0x3, v52;
	v16 =	vor.u32 $0x8, v50;
	v21 =	vmul.u32 $0x30, v10;
	v10 =	vld.idx.msk [tilespmem:v30+s13+$0x0], $0xffff  }
0x2a0: {  	v58 =	vmovc v61;
	v61 =	vmovc v24;
	v12 =	vor.u32 $0xC, v57;
	v30 =	vld [tilespmem:$0x1FE90];
	v17 =	vadd.s32 v25, v48;
	v19 =	vadd.s32 v25, v49  }
0x2a1: {  	_ =	sdelay $0x1  }
0x2a2: {  	v26 =	vbroadcast v21, $0x0;
	_ =	sdelay $0x1  }
0x2a3: {  	v8 =	vld.idx.msk [tilespmem:v8+s13+$0x0], $0xffff;
	v21 =	vadd.s32 v33, v26  }
0x2a4: {  	v22 =	vor.u32 $0x1, v63;
	_ =	sdelay $0x3  }
0x2a5: {  	v6 =	vld.idx.msk [tilespmem:v6+s13+$0x0], $0xffff;
	v33 =	vadd.s32 v38, v61;
	[tilespmem:v21+s20+$0x0] =	vst.idx.msk $0xffff, v8  }
0x2a6: {  	v23 =	vor.u32 $0x2, v60;
	v38 =	vadd.s32 v38, v26;
	v21 =	vld.idx.msk [tilespmem:v22+s13+$0x0], $0xffff  }
0x2a7: {  	v24 =	vor.u32 $0x2, v63;
	_ =	sdelay $0x2  }
0x2a8: {  	[tilespmem:v33+s20+$0x0] =	vst.idx.msk $0xffff, v6  }
0x2a9: {  	v8 =	vadd.s32 v39, v61;
	v6 =	vld.idx.msk [tilespmem:v23+s13+$0x0], $0xffff;
	[tilespmem:v38+s20+$0x0] =	vst.idx.msk $0xffff, v21  }
0x2aa: {  	v33 =	vadd.s32 v39, v26;
	v38 =	vor.u32 $0x3, v60;
	v21 =	vld.idx.msk [tilespmem:v24+s13+$0x0], $0xffff  }
0x2ab: {  	v39 =	vor.u32 $0x3, v63  }
0x2ac: {  	[tilespmem:v18+s20+$0x0] =	vst.idx.msk $0xffff, v15  }
0x2ad: {  	v18 =	vadd.s32 v32, v58;
	v15 =	vld.idx.msk [tilespmem:v20+s13+$0x0], $0xffff  }
0x2ae: {  	[tilespmem:v8+s20+$0x0] =	vst.idx.msk $0xffff, v6;
	v6 =	vor.u32 $0x4, v52  }
0x2af: {  	v27 =	vadd.s32 v32, v61;
	v8 =	vld.idx.msk [tilespmem:v38+s13+$0x0], $0xffff;
	[tilespmem:v33+s20+$0x0] =	vst.idx.msk $0xffff, v21  }
0x2b0: {  	[tilespmem:v13+s20+$0x0] =	vst.idx.msk $0xffff, v7;
	v38 =	vadd.s32 v32, v26;
	v33 =	vld.idx.msk [tilespmem:v39+s13+$0x0], $0xffff;
	v39 =	vor.u32 $0x4, v60  }
0x2b1: {  	[tilespmem:v17+s20+$0x0] =	vst.idx.msk $0xffff, v14;
	v22 =	vor.u32 $0x4, v63  }
0x2b2: {  	v12 =	vld.idx.msk [tilespmem:v12+s13+$0x0], $0xffff;
	[tilespmem:v18+s20+$0x0] =	vst.idx.msk $0xffff, v15;
	v15 =	vadd.s32 v43, v55  }
0x2b3: {  	[tilespmem:v19+s20+$0x0] =	vst.idx.msk $0xffff, v9;
	v9 =	vadd.s32 v40, v58;
	v6 =	vld.idx.msk [tilespmem:v6+s13+$0x0], $0xffff  }
0x2b4: {  	v18 =	vor.u32 $0x5, v52;
	v23 =	vadd.s32 v40, v53;
	[tilespmem:v27+s20+$0x0] =	vst.idx.msk $0xffff, v8  }
0x2b5: {  	v24 =	vadd.s32 v40, v61;
	v8 =	vor.u32 $0x5, v54;
	[tilespmem:v38+s20+$0x0] =	vst.idx.msk $0xffff, v33;
	v7 =	vld.idx.msk [tilespmem:v39+s13+$0x0], $0xffff  }
0x2b6: {  	[tilespmem:v3+s20+$0x0] =	vst.idx.msk $0xffff, v11;
	v32 =	vor.u32 $0x5, v60;
	v27 =	vadd.s32 v40, v26;
	v3 =	vld.idx.msk [tilespmem:v22+s13+$0x0], $0xffff  }
0x2b7: {  	v4 =	vld.idx.msk [tilespmem:v4+s13+$0x0], $0xffff;
	[tilespmem:v15+s20+$0x0] =	vst.idx.msk $0xffff, v12;
	v40 =	vadd.s32 v29, v49;
	v38 =	vor.u32 $0x5, v63  }
0x2b8: {  	v16 =	vld.idx.msk [tilespmem:v16+s13+$0x0], $0xffff;
	[tilespmem:v9+s20+$0x0] =	vst.idx.msk $0xffff, v6;
	v33 =	vadd.s32 v29, v48;
	v39 =	vor.u32 $0xD, v56  }
0x2b9: {  	v12 =	vadd.s32 v41, v58;
	[tilespmem:v23+s20+$0x0] =	vst.idx.msk $0xffff, v10;
	v23 =	vor.u32 $0xD, v57;
	v9 =	vld.idx.msk [tilespmem:v18+s13+$0x0], $0xffff  }
0x2ba: {  	v15 =	vadd.s32 v41, v53;
	v18 =	vor.u32 $0x6, v52;
	v8 =	vld.idx.msk [tilespmem:v8+s13+$0x0], $0xffff;
	[tilespmem:v24+s20+$0x0] =	vst.idx.msk $0xffff, v7  }
0x2bb: {  	v24 =	vor.u32 $0x6, v54;
	[tilespmem:v27+s20+$0x0] =	vst.idx.msk $0xffff, v3;
	v3 =	vld.idx.msk [tilespmem:v32+s13+$0x0], $0xffff;
	v27 =	vadd.s32 v41, v61  }
0x2bc: {  	v13 =	vadd.s32 v41, v26;
	[tilespmem:v40+s20+$0x0] =	vst.idx.msk $0xffff, v4;
	v32 =	vor.u32 $0x6, v60;
	v10 =	vld.idx.msk [tilespmem:v38+s13+$0x0], $0xffff  }
0x2bd: {  	[tilespmem:v33+s20+$0x0] =	vst.idx.msk $0xffff, v16;
	v33 =	vld.idx.msk [tilespmem:v39+s13+$0x0], $0xffff;
	v39 =	vor.u32 $0x6, v63;
	v38 =	vadd.s32 v45, v59  }
0x2be: {  	v6 =	vld.idx.msk [tilespmem:v23+s13+$0x0], $0xffff;
	v40 =	vor.u32 $0x9, v50;
	[tilespmem:v12+s20+$0x0] =	vst.idx.msk $0xffff, v9;
	v41 =	vadd.s32 v45, v55  }
0x2bf: {  	v23 =	vor.u32 $0x9, v51;
	v12 =	vadd.s32 v42, v58;
	[tilespmem:v15+s20+$0x0] =	vst.idx.msk $0xffff, v8;
	v8 =	vld.idx.msk [tilespmem:v18+s13+$0x0], $0xffff  }
0x2c0: {  	v15 =	vadd.s32 v42, v53;
	v7 =	vld.idx.msk [tilespmem:v24+s13+$0x0], $0xffff;
	v24 =	vor.u32 $0x7, v52;
	[tilespmem:v27+s20+$0x0] =	vst.idx.msk $0xffff, v3  }
0x2c1: {  	v11 =	vadd.s32 v42, v61;
	v27 =	vor.u32 $0x7, v54;
	[tilespmem:v13+s20+$0x0] =	vst.idx.msk $0xffff, v10;
	v10 =	vld.idx.msk [tilespmem:v32+s13+$0x0], $0xffff  }
0x2c2: {  	[tilespmem:v38+s20+$0x0] =	vst.idx.msk $0xffff, v33;
	v32 =	vadd.s32 v42, v26;
	v33 =	vor.u32 $0x7, v60;
	v4 =	vld.idx.msk [tilespmem:v39+s13+$0x0], $0xffff  }
0x2c3: {  	[tilespmem:v41+s20+$0x0] =	vst.idx.msk $0xffff, v6;
	v38 =	vld.idx.msk [tilespmem:v40+s13+$0x0], $0xffff;
	v40 =	vor.u32 $0x7, v63;
	v39 =	vadd.s32 v30, v48  }
0x2c4: {  	v9 =	vld.idx.msk [tilespmem:v23+s13+$0x0], $0xffff;
	v41 =	vor.u32 $0xE, v56;
	v42 =	vadd.s32 v30, v49;
	[tilespmem:v12+s20+$0x0] =	vst.idx.msk $0xffff, v8  }
0x2c5: {  	v21 =	vor.u32 $0xE, v57;
	v23 =	vadd.s32 v25, v58;
	[tilespmem:v15+s20+$0x0] =	vst.idx.msk $0xffff, v7;
	v22 =	vld.idx.msk [tilespmem:v24+s13+$0x0], $0xffff  }
0x2c6: {  	v24 =	vadd.s32 v25, v53;
	v3 =	vld.idx.msk [tilespmem:v27+s13+$0x0], $0xffff;
	v27 =	vor.u32 $0x8, v52;
	[tilespmem:v11+s20+$0x0] =	vst.idx.msk $0xffff, v10  }
0x2c7: {  	[tilespmem:v32+s20+$0x0] =	vst.idx.msk $0xffff, v4;
	v32 =	vld.idx.msk [tilespmem:v33+s13+$0x0], $0xffff;
	v33 =	vadd.s32 v25, v61  }
0x2c8: {  	[tilespmem:v39+s20+$0x0] =	vst.idx.msk $0xffff, v38;
	v38 =	vadd.s32 v25, v26;
	v39 =	vor.u32 $0x8, v60;
	v6 =	vld.idx.msk [tilespmem:v40+s13+$0x0], $0xffff  }
0x2c9: {  	[tilespmem:v42+s20+$0x0] =	vst.idx.msk $0xffff, v9;
	v40 =	vld.idx.msk [tilespmem:v41+s13+$0x0], $0xffff;
	v41 =	vadd.s32 v46, v59  }
0x2ca: {  	v8 =	vld.idx.msk [tilespmem:v21+s13+$0x0], $0xffff;
	v21 =	vadd.s32 v46, v55;
	v42 =	vor.u32 $0xA, v50;
	[tilespmem:v23+s20+$0x0] =	vst.idx.msk $0xffff, v22  }
0x2cb: {  	v22 =	vor.u32 $0xA, v51;
	[tilespmem:v24+s20+$0x0] =	vst.idx.msk $0xffff, v3;
	v23 =	vld.idx.msk [tilespmem:v27+s13+$0x0], $0xffff;
	v24 =	vadd.s32 v29, v58  }
0x2cc: {  	v25 =	vadd.s32 v29, v53;
	v27 =	vor.u32 $0x9, v52;
	v2 =	vld.idx.msk [tilespmem:v2+s13+$0x0], $0xffff;
	[tilespmem:v33+s20+$0x0] =	vst.idx.msk $0xffff, v32  }
0x2cd: {  	v32 =	vor.u32 $0x9, v54;
	[tilespmem:v38+s20+$0x0] =	vst.idx.msk $0xffff, v6;
	v33 =	vld.idx.msk [tilespmem:v39+s13+$0x0], $0xffff;
	v38 =	vadd.s32 v29, v61  }
0x2ce: {  	[tilespmem:v41+s20+$0x0] =	vst.idx.msk $0xffff, v40;
	v39 =	vadd.s32 v29, v26;
	v40 =	vor.u32 $0x9, v60;
	v5 =	vld.idx.msk [tilespmem:v5+s13+$0x0], $0xffff  }
0x2cf: {  	[tilespmem:v21+s20+$0x0] =	vst.idx.msk $0xffff, v8;
	v9 =	vld.idx.msk [tilespmem:v42+s13+$0x0], $0xffff;
	v42 =	vor.u32 $0x9, v63;
	v41 =	vadd.s32 v44, v48  }
0x2d0: {  	v21 =	vor.u32 $0xF, v56;
	v7 =	vld.idx.msk [tilespmem:v22+s13+$0x0], $0xffff;
	v22 =	vadd.s32 v44, v49;
	[tilespmem:v24+s20+$0x0] =	vst.idx.msk $0xffff, v23  }
0x2d1: {  	v23 =	vor.u32 $0xF, v57;
	[tilespmem:v25+s20+$0x0] =	vst.idx.msk $0xffff, v2;
	v24 =	vld.idx.msk [tilespmem:v27+s13+$0x0], $0xffff;
	v25 =	vadd.s32 v30, v58  }
0x2d2: {  	v27 =	vor.u32 $0xA, v52;
	v4 =	vld.idx.msk [tilespmem:v32+s13+$0x0], $0xffff;
	v32 =	vadd.s32 v30, v53;
	[tilespmem:v38+s20+$0x0] =	vst.idx.msk $0xffff, v33  }
0x2d3: {  	v33 =	vor.u32 $0xA, v54;
	[tilespmem:v39+s20+$0x0] =	vst.idx.msk $0xffff, v5;
	v38 =	vld.idx.msk [tilespmem:v40+s13+$0x0], $0xffff;
	v39 =	vadd.s32 v30, v61  }
0x2d4: {  	[tilespmem:v41+s20+$0x0] =	vst.idx.msk $0xffff, v9;
	v41 =	vadd.s32 v30, v26;
	v40 =	vor.u32 $0xA, v60;
	v8 =	vld.idx.msk [tilespmem:v42+s13+$0x0], $0xffff  }
0x2d5: {  	v56 =	vadd.s32 v47, v59;
	v57 =	vor.u32 $0xA, v63;
	[tilespmem:v22+s20+$0x0] =	vst.idx.msk $0xffff, v7;
	v42 =	vld.idx.msk [tilespmem:v21+s13+$0x0], $0xffff  }
0x2d6: {  	v22 =	vor.u32 $0xB, v51;
	v3 =	vld.idx.msk [tilespmem:v23+s13+$0x0], $0xffff;
	v21 =	vadd.s32 v47, v55;
	[tilespmem:v25+s20+$0x0] =	vst.idx.msk $0xffff, v24  }
0x2d7: {  	v59 =	vor.u32 $0xB, v50;
	v23 =	vadd.s32 v44, v58;
	v12 =	vld.idx.msk [tilespmem:v27+s13+$0x0], $0xffff;
	[tilespmem:v32+s20+$0x0] =	vst.idx.msk $0xffff, v4  }
0x2d8: {  	v24 =	vor.u32 $0xB, v52;
	v25 =	vadd.s32 v44, v53;
	v6 =	vld.idx.msk [tilespmem:v33+s13+$0x0], $0xffff;
	[tilespmem:v39+s20+$0x0] =	vst.idx.msk $0xffff, v38  }
0x2d9: {  	v27 =	vor.u32 $0xB, v54;
	v32 =	vadd.s32 v44, v61;
	v9 =	vld.idx.msk [tilespmem:v40+s13+$0x0], $0xffff;
	[tilespmem:v41+s20+$0x0] =	vst.idx.msk $0xffff, v8  }
0x2da: {  	v33 =	vor.u32 $0xB, v60;
	v38 =	vadd.s32 v44, v26;
	[tilespmem:v56+s20+$0x0] =	vst.idx.msk $0xffff, v42;
	v7 =	vld.idx.msk [tilespmem:v57+s13+$0x0], $0xffff  }
0x2db: {  	v2 =	vld.idx.msk [tilespmem:v22+s13+$0x0], $0xffff;
	v44 =	vadd.s32 v37, v49;
	[tilespmem:v21+s20+$0x0] =	vst.idx.msk $0xffff, v3;
	v41 =	vor.u32 $0xB, v63  }
0x2dc: {  	v55 =	vor.u32 $0xC, v51;
	v39 =	vadd.s32 v37, v48;
	v40 =	vld.idx.msk [tilespmem:v59+s13+$0x0], $0xffff;
	[tilespmem:v23+s20+$0x0] =	vst.idx.msk $0xffff, v12  }
0x2dd: {  	v42 =	vor.u32 $0xC, v50;
	v56 =	vadd.s32 v37, v58;
	v15 =	vld.idx.msk [tilespmem:v24+s13+$0x0], $0xffff;
	[tilespmem:v25+s20+$0x0] =	vst.idx.msk $0xffff, v6  }
0x2de: {  	v59 =	vadd.s32 v37, v53;
	v57 =	vor.u32 $0xC, v52;
	v5 =	vld.idx.msk [tilespmem:v27+s13+$0x0], $0xffff;
	[tilespmem:v32+s20+$0x0] =	vst.idx.msk $0xffff, v9  }
0x2df: {  	v20 =	vor.u32 $0xC, v54;
	v21 =	vadd.s32 v37, v61;
	v10 =	vld.idx.msk [tilespmem:v33+s13+$0x0], $0xffff;
	[tilespmem:v38+s20+$0x0] =	vst.idx.msk $0xffff, v7  }
0x2e0: {  	v22 =	vor.u32 $0xC, v60;
	v23 =	vadd.s32 v37, v26;
	[tilespmem:v44+s20+$0x0] =	vst.idx.msk $0xffff, v2;
	v3 =	vld.idx.msk [tilespmem:v41+s13+$0x0], $0xffff  }
0x2e1: {  	v24 =	vor.u32 $0xC, v63;
	v27 =	vadd.s32 v43, v49;
	[tilespmem:v39+s20+$0x0] =	vst.idx.msk $0xffff, v40;
	v4 =	vld.idx.msk [tilespmem:v55+s13+$0x0], $0xffff  }
0x2e2: {  	v32 =	vor.u32 $0xD, v51;
	v13 =	vld.idx.msk [tilespmem:v42+s13+$0x0], $0xffff;
	[tilespmem:v56+s20+$0x0] =	vst.idx.msk $0xffff, v15  }
0x2e3: {  	v25 =	vor.u32 $0xD, v50;
	v6 =	vld.idx.msk [tilespmem:v57+s13+$0x0], $0xffff;
	[tilespmem:v59+s20+$0x0] =	vst.idx.msk $0xffff, v5  }
0x2e4: {  	v37 =	vadd.s32 v43, v53;
	v33 =	vor.u32 $0xD, v52;
	v5 =	vld.idx.msk [tilespmem:v20+s13+$0x0], $0xffff;
	[tilespmem:v21+s20+$0x0] =	vst.idx.msk $0xffff, v10  }
0x2e5: {  	v38 =	vor.u32 $0xD, v54;
	v7 =	vld.idx.msk [tilespmem:v22+s13+$0x0], $0xffff;
	[tilespmem:v23+s20+$0x0] =	vst.idx.msk $0xffff, v3  }
0x2e6: {  	v39 =	vor.u32 $0xD, v60;
	v40 =	vadd.s32 v43, v26;
	[tilespmem:v27+s20+$0x0] =	vst.idx.msk $0xffff, v4;
	v2 =	vld.idx.msk [tilespmem:v24+s13+$0x0], $0xffff  }
0x2e7: {  	v44 =	vadd.s32 v45, v49;
	v43 =	vor.u32 $0xD, v63;
	[tilespmem:v62+s20+$0x0] =	vst.idx.msk $0xffff, v13;
	v12 =	vld.idx.msk [tilespmem:v32+s13+$0x0], $0xffff  }
0x2e8: {  	v42 =	vadd.s32 v45, v48;
	v56 =	vor.u32 $0xE, v51;
	v41 =	vld.idx.msk [tilespmem:v25+s13+$0x0], $0xffff;
	[tilespmem:v1+s20+$0x0] =	vst.idx.msk $0xffff, v6  }
0x2e9: {  	v55 =	vor.u32 $0xE, v50;
	v59 =	vadd.s32 v45, v58;
	[tilespmem:v37+s20+$0x0] =	vst.idx.msk $0xffff, v5;
	v57 =	vld.idx.msk [tilespmem:v33+s13+$0x0], $0xffff  }
0x2ea: {  	v20 =	vadd.s32 v45, v53;
	v21 =	vor.u32 $0xE, v52;
	v62 =	vld.idx.msk [tilespmem:v38+s13+$0x0], $0xffff;
	[tilespmem:v0+s20+$0x0] =	vst.idx.msk $0xffff, v7  }
0x2eb: {  	v22 =	vor.u32 $0xE, v54;
	v24 =	vadd.s32 v45, v61;
	[tilespmem:v40+s20+$0x0] =	vst.idx.msk $0xffff, v2;
	v23 =	vld.idx.msk [tilespmem:v39+s13+$0x0], $0xffff  }
0x2ec: {  	v27 =	vadd.s32 v45, v26;
	v32 =	vor.u32 $0xE, v60;
	[tilespmem:v44+s20+$0x0] =	vst.idx.msk $0xffff, v12;
	v25 =	vld.idx.msk [tilespmem:v43+s13+$0x0], $0xffff  }
0x2ed: {  	v37 =	vor.u32 $0xE, v63;
	v38 =	vadd.s32 v46, v49;
	[tilespmem:v42+s20+$0x0] =	vst.idx.msk $0xffff, v41;
	v1 =	vld.idx.msk [tilespmem:v56+s13+$0x0], $0xffff  }
0x2ee: {  	v33 =	vadd.s32 v46, v48;
	v11 =	vld.idx.msk [tilespmem:v55+s13+$0x0], $0xffff;
	v40 =	vor.u32 $0xF, v51;
	[tilespmem:v59+s20+$0x0] =	vst.idx.msk $0xffff, v57  }
0x2ef: {  	v41 =	vadd.s32 v46, v58;
	v39 =	vor.u32 $0xF, v50;
	[tilespmem:v20+s20+$0x0] =	vst.idx.msk $0xffff, v62;
	v6 =	vld.idx.msk [tilespmem:v21+s13+$0x0], $0xffff  }
0x2f0: {  	v42 =	vadd.s32 v46, v53;
	v43 =	vor.u32 $0xF, v52;
	v0 =	vld.idx.msk [tilespmem:v22+s13+$0x0], $0xffff;
	[tilespmem:v24+s20+$0x0] =	vst.idx.msk $0xffff, v23  }
0x2f1: {  	v45 =	vadd.s32 v46, v61;
	v44 =	vor.u32 $0xF, v54;
	[tilespmem:v27+s20+$0x0] =	vst.idx.msk $0xffff, v25;
	v3 =	vld.idx.msk [tilespmem:v32+s13+$0x0], $0xffff  }
0x2f2: {  	v50 =	vadd.s32 v46, v26;
	v51 =	vor.u32 $0xF, v60;
	[tilespmem:v38+s20+$0x0] =	vst.idx.msk $0xffff, v1;
	v7 =	vld.idx.msk [tilespmem:v37+s13+$0x0], $0xffff  }
0x2f3: {  	v56 =	vadd.s32 v47, v49;
	v55 =	vor.u32 $0xF, v63;
	[tilespmem:v33+s20+$0x0] =	vst.idx.msk $0xffff, v11;
	v5 =	vld.idx.msk [tilespmem:v40+s13+$0x0], $0xffff  }
0x2f4: {  	v54 =	vadd.s32 v47, v48;
	v52 =	vld.idx.msk [tilespmem:v39+s13+$0x0], $0xffff;
	[tilespmem:v41+s20+$0x0] =	vst.idx.msk $0xffff, v6  }
0x2f5: {  	v59 =	vadd.s32 v47, v58;
	[tilespmem:v42+s20+$0x0] =	vst.idx.msk $0xffff, v0;
	v57 =	vld.idx.msk [tilespmem:v43+s13+$0x0], $0xffff  }
0x2f6: {  	v60 =	vadd.s32 v47, v53;
	v2 =	vld.idx.msk [tilespmem:v44+s13+$0x0], $0xffff;
	[tilespmem:v45+s20+$0x0] =	vst.idx.msk $0xffff, v3  }
0x2f7: {  	v61 =	vadd.s32 v47, v61;
	[tilespmem:v50+s20+$0x0] =	vst.idx.msk $0xffff, v7;
	v3 =	vld.idx.msk [tilespmem:v51+s13+$0x0], $0xffff  }
0x2f8: {  	v63 =	vadd.s32 v47, v26;
	[tilespmem:v56+s20+$0x0] =	vst.idx.msk $0xffff, v5;
	v62 =	vld.idx.msk [tilespmem:v55+s13+$0x0], $0xffff  }
0x2f9: {  	[tilespmem:v54+s20+$0x0] =	vst.idx.msk $0xffff, v52  }
0x2fa: {  	[tilespmem:v59+s20+$0x0] =	vst.idx.msk $0xffff, v57  }
0x2fb: {  	[tilespmem:v60+s20+$0x0] =	vst.idx.msk $0xffff, v2  }
0x2fc: {  	s28 =	simm.s32 $0xAA20;
	[tilespmem:v61+s20+$0x0] =	vst.idx.msk $0xffff, v3  }
0x2fd: {  	s29 =	simm.s32 $0x10;
	s31 =	sadd.s32 $0x0, s10;
	s30 =	simm.s32 $0xAA50;
	[tilespmem:v63+s20+$0x0] =	vst.idx.msk $0xffff, v62  }
.LBB2_12:
0x2fe: {  	[hbm4b:s31+s2] =	stream.linear.scatter [tilespmem:s28], [sflag:$0x4], $0x10, $0x38;
	[tilespmem:$0x10BE0] =	vst v63  }
0x2ff: {  	s31 =	smov.u32 s29;
	s28 =	smov.u32 s30;
	p0 =	sne.s32 s29, $0x1FF0  }
.Ltmp5:
0x300: {  	s29 =	sadd.s32 $0x10, s29;
	(pc) =	sbr.rel @p0 .LBB2_12-.Ltmp5, $2  }
0x301: {  	_ =	sdelay $0x2  }
0x302: {  	s30 =	sadd.s32 $0x30, s30;
	s31 =	sadd.s32 s31, s10  }
0x303: {  	[hbm4b:s31+s2] =	stream.linear.scatter [tilespmem:s28], [sflag:$0x4], $0x10, $0x38;
	[tilespmem:$0x10BE0] =	vst v63  }
0x304: {  	_ =	swait.ge [sflag:s21], $0x2000  }
0x305: {  	[sflag:s21] =	ssyncset.done $0x0  }
0x306: {  	[sflag:s21] =	ssyncadd.s32 $0xFFFFE000  }
0x307: {  	[hbm4b:s11+s22] =	stream.strided.scatter [tilespmem:s18], [sflag:$0x4], $0x2000, s23, s22, $0x38;
	[tilespmem:$0x10BE0] =	vst v63  }
0x308: {  	_ =	swait.ge [sflag:s24], $0x8000  }
0x309: {  	[sflag:s24] =	ssyncset.done $0x0  }
0x30a: {  	[sflag:s24] =	ssyncadd.s32 $0xFFFF8000  }
0x30b: {  	[hbm4b:s6+s25] =	stream.strided.scatter [tilespmem:s16], [sflag:$0x4], $0x8000, s23, s25, $0x38;
	[tilespmem:$0x10BE0] =	vst v63  }
0x30c: {  	_ =	swait.ge [sflag:s19], $0x2000  }
0x30d: {  	[sflag:s19] =	ssyncset.done $0x0  }
0x30e: {  	[sflag:s19] =	ssyncadd.s32 $0xFFFFE000  }
0x30f: {  	_ =	swait.ge [sflag:s19], $0x2000  }
0x310: {  	[sflag:s19] =	ssyncset.done $0x0  }
0x311: {  	[sflag:s19] =	ssyncadd.s32 $0xFFFFE000  }
0x312: {  	_ =	swait.ge [sflag:s19], $0x2000  }
0x313: {  	[sflag:s19] =	ssyncset.done $0x0  }
0x314: {  	[sflag:s19] =	ssyncadd.s32 $0xFFFFE000  }
0x315: {  	_ =	swait.ge [sflag:s19], $0x2000  }
0x316: {  	[sflag:s19] =	ssyncset.done $0x0  }
0x317: {  	[sflag:s19] =	ssyncadd.s32 $0xFFFFE000  }
0x318: {  	_ =	swait.ge [sflag:s19], $0x8000  }
0x319: {  	v26 =	vld [tilespmem:$0x1FFF0]  }
0x31a: {  	v22 =	vld [tilespmem:$0x1FEA0]  }
0x31b: {  	v23 =	vld [tilespmem:$0x1FEB0]  }
0x31c: {  	s26 =	sadd.s32 $0x1, s26;
	v40 =	vld [tilespmem:$0x1FEC0]  }
0x31d: {  	p0 =	sne.s32 s26, s12;
	v41 =	vld [tilespmem:$0x1FED0]  }
.Ltmp6:
0x31e: {  	v42 =	vld [tilespmem:$0x1FEE0];
	(pc) =	sbr.rel @p0 .LBB2_1-.Ltmp6, $4  }
0x31f: {  	v24 =	vld [tilespmem:$0x1FFC0]  }
0x320: {  	v29 =	vmov v31;
	v31 =	vld [tilespmem:$0x1FFD0]  }
0x321: {  	[sflag:s19] =	ssyncset.done $0x0;
	v32 =	vld [tilespmem:$0x1FFE0]  }
0x322: {  	v28 =	vmov v34;
	v27 =	vmov v35;
	v30 =	vmov v36;
	v34 =	vld [tilespmem:$0x1FF10];
	[sflag:s19] =	ssyncadd.s32 $0xFFFF8000  }
0x323: {  	_ =	sfence.sel $0x180000  }
0x324: {  	[bflag:$0x0] =	sbarrier.arrive $0xFFFF  }
0x325: {  	p0 =	sne.s32 s0, $0x0;
	_ =	strace $0x90000047  }
0x326: {  	s0 =	sadd.s32 @!p0 $0x100000, s1;
	[bflag:$0x2] =	sbarrier.arrive $0xFFFF  }
0x327: {  	[sflag:s0] =	ssyncadd.tile.s32 @!p0 $0x1;
	_ =	shalt  }
.Lfunc_end2:
_tile_overlayer_lowered:
.L_overlay_start_2:
0x328: {  	(tag) =	ssettag $0x2  }
0x329: {  	s0 =	rddreg [dreg:$0x0];
	s2 =	stileid.u32  }
0x32a: {  	s1 =	rddreg [dreg:$0x1];
	p0 =	sne.s32 s2, $0x0  }
0x32b: {  	s3 =	rddreg [dreg:$0x2];
	[bflag:$0x3] =	sbarrier.arrive $0xFFFF;
	s2 =	simm.s32 @!p0 $0x1C05  }
0x32c: {  	[timem:s3], [sflag:s2] =	dma.local @!p0 [hbm:s0], s1  }
0x32d: {  	s0 =	simm.s32 @!p0 $0x5  }
0x32e: {  	_ =	swait.ge @!p0 [sflag:s0], s1  }
0x32f: {  	s1 =	ssub.s32 @!p0 $0x0, s1;
	[sflag:s0] =	ssyncset.done @!p0 $0x0  }
0x330: {  	[sflag:s0] =	ssyncadd.s32 @!p0 s1  }
0x331: {  	[bflag:$0x3] =	sbarrier.arrive $0xFFFF  }
0x332: {  	_ =	shalt  }

</sc_bundles>
